<compile_context>
chip_gen: v7x
topology: tpu7x:2x2x1
jax: 0.10.2.dev20260603
libtpu: 0.0.44.dev20260713+nightly
codegen_flags: <defaults>
</compile_context>

<pallas_src>
import functools

import jax
import jax.numpy as jnp
import numpy as np
from jax import lax
from jax.experimental import pallas as pl
from jax.experimental.pallas import tpu as pltpu
from jax.experimental.pallas import tpu_sc as plsc

N_IN = 1048576
N_OUT = 524288

_DELTA = np.float32(1.0) / np.float32(N_IN - 1)
_C = np.float32(N_IN - 1)


_TBL_ROWS = 8192
_TBL_BLK = 1024


def _table_body(act_ref, prevblk_ref, out_ref):
    b = pl.program_id(0)
    cur = act_ref[...]
    pc = prevblk_ref[_TBL_BLK - 1 :, 127:128]
    colprev = jnp.concatenate([pc, cur[: _TBL_BLK - 1, 127:128]], axis=0)
    prev = jnp.concatenate([colprev, cur[:, :127]], axis=1)
    rows = lax.broadcasted_iota(jnp.int32, (_TBL_BLK, 128), 0)
    cols = lax.broadcasted_iota(jnp.int32, (_TBL_BLK, 128), 1)
    i_i = (rows + b * _TBL_BLK) * 128 + cols
    i_f = lax.convert_element_type(i_i, jnp.float32)
    posdiff = i_f * _DELTA - (i_f - jnp.float32(1.0)) * _DELTA
    s = (cur - prev) / posdiff
    s = jnp.where(i_f == 0.0, jnp.float32(0.0), s)
    vb = lax.bitcast_convert_type(cur, jnp.uint32) & jnp.uint32(0xFFFF0000)
    sb = lax.bitcast_convert_type(s, jnp.uint32) >> 16
    out_ref[...] = vb | sb


def _build_table(act):
    act2d = act.reshape(_TBL_ROWS, 128)
    tbl = pl.pallas_call(
        _table_body,
        grid=(_TBL_ROWS // _TBL_BLK,),
        in_specs=[
            pl.BlockSpec((_TBL_BLK, 128), lambda b: (b, 0)),
            pl.BlockSpec((_TBL_BLK, 128), lambda b: (jnp.maximum(b - 1, 0), 0)),
        ],
        out_specs=pl.BlockSpec((_TBL_BLK, 128), lambda b: (b, 0)),
        out_shape=jax.ShapeDtypeStruct((_TBL_ROWS, 128), jnp.uint32),
    )(act2d, act2d)
    return tbl.reshape(N_IN)



_NW = 32
_S = (2 * N_OUT) // _NW
_CH = _S // 128
_K = 16


def _lane_gather(v, idx):
    return v[idx]


def _searchsorted16(x):
    xi = lax.convert_element_type(x * _C, jnp.int32)
    xf = lax.convert_element_type(xi, jnp.float32)
    one = jnp.float32(1.0)
    zero = jnp.float32(0.0)
    idxf = xf + jnp.where(xf * _DELTA < x, one, zero)
    idxf = idxf + jnp.where((xf + 1.0) * _DELTA < x, one, zero)
    return idxf


_B = _S // 4


def _sc_body(tbl_hbm, xe_hbm, xo_hbm, out_hbm, tbl_sp, y_v, x2_v, idx2_v, g_v, sem, semt):
    wid = lax.axis_index("s") * 2 + lax.axis_index("c")
    sid = lax.axis_index("s")
    half = _S // 2
    base = wid * half
    himask = jnp.uint32(0xFFFF0000)

    tchunk = N_IN // 16
    th = pltpu.async_copy(
        tbl_hbm.at[pl.ds(sid * tchunk, tchunk)],
        tbl_sp.at[pl.ds(sid * tchunk, tchunk)],
        semt,
    )

    def stage_x(b):
        src_hbm = xe_hbm if b < 2 else xo_hbm
        sbase = base + (b % 2) * _B
        with jax.named_scope("stage_x"):
            pltpu.sync_copy(
                src_hbm.at[pl.ds(sbase, _B)],
                x2_v.at[pl.ds((b % 2) * _B, _B)],
            )

    def idx_phase(b):
        xoff = (b % 2) * _B
        with jax.named_scope("idx_phase"):
            @plsc.parallel_loop(0, _B, 16, unroll=8)
            def _idx_loop(o):
                x = x2_v[pl.ds(xoff + o, 16)]
                idx2_v[pl.ds(xoff + o, 16)] = lax.convert_element_type(
                    _searchsorted16(x), jnp.int32
                )

    def fire_gather(b):
        return pltpu.async_copy(
            tbl_sp.at[idx2_v.at[pl.ds((b % 2) * _B, _B)]], g_v, sem
        )

    def interp_phase(b):
        xoff = (b % 2) * _B
        yoff = (b % 2) * _B
        if b < 2:
            with jax.named_scope("interp_phase"):
                @plsc.parallel_loop(0, _B, 16, unroll=8)
                def _interp_loop(o):
                    x = x2_v[pl.ds(xoff + o, 16)]
                    g = g_v[pl.ds(o, 16)]
                    idxf = lax.convert_element_type(
                        idx2_v[pl.ds(xoff + o, 16)], jnp.float32
                    )
                    v = lax.bitcast_convert_type(g & himask, jnp.float32)
                    s = lax.bitcast_convert_type(g << 16, jnp.float32)
                    y_v[pl.ds(yoff + o, 16)] = v + s * (x - idxf * _DELTA)
        else:
            with jax.named_scope("interp_mean_phase"):
                @plsc.parallel_loop(0, _B, 16, unroll=8)
                def _interp_mean_loop(o):
                    x = x2_v[pl.ds(xoff + o, 16)]
                    g = g_v[pl.ds(o, 16)]
                    idxf = lax.convert_element_type(
                        idx2_v[pl.ds(xoff + o, 16)], jnp.float32
                    )
                    v = lax.bitcast_convert_type(g & himask, jnp.float32)
                    s = lax.bitcast_convert_type(g << 16, jnp.float32)
                    yo = v + s * (x - idxf * _DELTA)
                    ye = y_v[pl.ds(yoff + o, 16)]
                    y_v[pl.ds(yoff + o, 16)] = (ye + yo) * jnp.float32(0.5)

    stage_x(0)
    idx_phase(0)
    with jax.named_scope("tbl_wait"):
        th.wait()
        plsc.subcore_barrier()
    gh = fire_gather(0)
    for b in range(4):
        if b + 1 < 4:
            stage_x(b + 1)
            idx_phase(b + 1)
        with jax.named_scope("gather_wait"):
            gh.wait()
        interp_phase(b)
        if b + 1 < 4:
            gh = fire_gather(b + 1)

    with jax.named_scope("store_out"):
        pltpu.sync_copy(y_v, out_hbm.at[pl.ds(base, half)])


@functools.partial(jax.jit, static_argnames=())
def _interp_sc(tbl, xe, xo):
    mesh = plsc.VectorSubcoreMesh(core_axis_name="c", subcore_axis_name="s")
    f = pl.kernel(
        _sc_body,
        out_type=jax.ShapeDtypeStruct((N_OUT,), jnp.float32),
        mesh=mesh,
        scratch_types=[
            pltpu.VMEM_SHARED((N_IN,), jnp.uint32),
            pltpu.VMEM((_S // 2,), jnp.float32),
            pltpu.VMEM((2 * _B,), jnp.float32),
            pltpu.VMEM((2 * _B,), jnp.int32),
            pltpu.VMEM((_B,), jnp.uint32),
            pltpu.SemaphoreType.DMA,
            pltpu.SemaphoreType.DMA,
        ],
    )
    return f(tbl, xe, xo)


def kernel(activations, sample_points):
    tbl = _build_table(activations)
    return _interp_sc(tbl, sample_points[:, 0], sample_points[:, 1])

# --- scband reference (transcript-rebuilt; emitter-appended) ---
"""Pipeline reference for scband-sparse-abacus-layer-77137612636835 (READ-ONLY COPY).

The authoritative reference and input builder live on the scoring server;
editing this copy changes nothing except your own understanding.
"""

import jax, jax.numpy as jnp
import numpy as np

N_IN = 1048576
N_OUT = 524288


def setup_inputs(seed: int = 0) -> dict:
    key = jax.random.key(seed)
    k1, k2 = jax.random.split(key)
    # forward input (values already in [0,1], matching the module's clamp + assert)
    activations = jax.random.uniform(k1, (N_IN,), dtype=jnp.float32)
    # learned parameter: self.sample_points = nn.Parameter(torch.rand(n_out, 2))
    sample_points = jax.random.uniform(k2, (N_OUT, 2), dtype=jnp.float32)
    return {"activations": activations, "sample_points": sample_points}


def reference(activations, sample_points):
    n_in = activations.shape[0]
    # self.pos buffer
    pos = jnp.linspace(0.0, 1.0, n_in, dtype=jnp.float32)
    # forward: clamp both sample points and activations to [0, 1]
    sp = jnp.clip(sample_points, 0.0, 1.0)
    act = jnp.clip(activations, 0.0, 1.0)
    xnew = sp.reshape(-1)
    # interp1d(pos, act, xnew)
    slope = (act[1:] - act[:-1]) / (pos[1:] - pos[:-1])
    idx = jnp.searchsorted(pos, xnew, side='left')  # matches torch.searchsorted(right=False)
    offset = xnew - jnp.take(pos, idx)
    # torch indexes slope[idx - 1]; when idx == 0 torch wraps to slope[-1].
    # jnp.mod reproduces that wrap-around exactly for dynamic indices.
    idx_m1 = jnp.mod(idx - 1, n_in - 1)
    ynew = jnp.take(act, idx) + jnp.take(slope, idx_m1) * offset
    out = ynew.reshape(sample_points.shape)
    # self.aggregator is undefined in the source class; the only shape-consistent
    # interpretation is a reduction over the 2 samples per output neuron -> mean.
    out = jnp.mean(out, axis=-1)
    return out

if __name__ == "__main__":
    import jax
    _d = setup_inputs()
    print(jax.jit(kernel)(*tuple(_d.values())))

</pallas_src>

<mosaic_0001>
#map = affine_map<(d0, d1) -> (0)>
module attributes {stable_mosaic.version = 14 : i64} {
  func.func @_sc_body(%arg0: i32, %arg1: i32, %arg2: memref<1048576xi32, #tpu.memory_space<hbm>>, %arg3: memref<524288xf32, #tpu.memory_space<hbm>>, %arg4: memref<524288xf32, #tpu.memory_space<hbm>>, %arg5: memref<524288xf32, #tpu.memory_space<hbm>>, %arg6: memref<1048576xi32, #tpu.memory_space<vmem_shared>>, %arg7: memref<16384xf32, #tpu.memory_space<vmem>>, %arg8: memref<16384xf32, #tpu.memory_space<vmem>>, %arg9: memref<16384xi32, #tpu.memory_space<vmem>>, %arg10: memref<8192xi32, #tpu.memory_space<vmem>>, %arg11: memref<!tpu.dma_semaphore, #tpu.memory_space<semaphore_mem>>, %arg12: memref<!tpu.dma_semaphore, #tpu.memory_space<semaphore_mem>>) attributes {dimension_semantics = [#tpu.dimension_semantics<core_parallel>, #tpu.dimension_semantics<subcore_parallel>], iteration_bounds = array<i64: 2, 16>, scalar_prefetch = 0 : i64, scratch_operands = 7 : i64, tpu.core_type = #tpu.core_type<sc_vector_subcore>, window_params = [{transform_indices = #map}, {transform_indices = #map}, {transform_indices = #map}, {transform_indices = #map}]} {
    %mul3A = arith.constant 2 : i32
    %mul3A_0 = arith.muli %arg1, %mul3A : i32
    %add3A = arith.addi %mul3A_0, %arg0 : i32
    %mul3A_1 = arith.constant 16384 : i32
    %mul3A_2 = arith.muli %add3A, %mul3A_1 : i32
    %mul3A_3 = arith.constant 65536 : i32
    %mul3A_4 = arith.muli %arg1, %mul3A_3 : i32
    %mul3A_5 = arith.constant 65536 : i32
    %mul3A_6 = arith.muli %arg1, %mul3A_5 : i32
    %dma_start3A = tpu.memref_slice %arg6[%mul3A_6] : memref<1048576xi32, #tpu.memory_space<vmem_shared>> -> memref<65536xi32, #tpu.memory_space<vmem_shared>>
    %dma_start3A_7 = tpu.memref_slice %arg2[%mul3A_4] : memref<1048576xi32, #tpu.memory_space<hbm>> -> memref<65536xi32, #tpu.memory_space<hbm>>
    tpu.enqueue_dma source(%dma_start3A_7 : memref<65536xi32, #tpu.memory_space<hbm>>) target(%dma_start3A : memref<65536xi32, #tpu.memory_space<vmem_shared>>) target_semaphore(%arg12 : memref<!tpu.dma_semaphore, #tpu.memory_space<semaphore_mem>>)
    %add3A_8 = arith.constant 0 : i32
    %add3A_9 = arith.addi %mul3A_2, %add3A_8 : i32
    "tpu.trace_start"() <{level = 10 : i32, message = "stage_x"}> : () -> ()
    "tpu.region"() ({
      %run_scoped3A = tpu.sem_alloc : memref<!tpu.dma_semaphore, #tpu.memory_space<semaphore_mem>>
      %dma_start3A_76 = arith.constant 0 : i32
      %dma_start3A_77 = tpu.memref_slice %arg8[%dma_start3A_76] : memref<16384xf32, #tpu.memory_space<vmem>> -> memref<8192xf32, #tpu.memory_space<vmem>>
      %dma_start3A_78 = tpu.memref_slice %arg3[%add3A_9] : memref<524288xf32, #tpu.memory_space<hbm>> -> memref<8192xf32, #tpu.memory_space<hbm>>
      %dma_start3A_79 = arith.constant 0 : i32
      %dma_start3A_80 = tpu.memref_slice %arg8[%dma_start3A_79] : memref<16384xf32, #tpu.memory_space<vmem>> -> memref<8192xf32, #tpu.memory_space<vmem>>
      %dma_start3A_81 = tpu.memref_slice %arg3[%add3A_9] : memref<524288xf32, #tpu.memory_space<hbm>> -> memref<8192xf32, #tpu.memory_space<hbm>>
      tpu.enqueue_dma source(%dma_start3A_81 : memref<8192xf32, #tpu.memory_space<hbm>>) target(%dma_start3A_80 : memref<8192xf32, #tpu.memory_space<vmem>>) target_semaphore(%run_scoped3A : memref<!tpu.dma_semaphore, #tpu.memory_space<semaphore_mem>>)
      %dma_wait3A_82 = arith.constant 0 : i32
      %dma_wait3A_83 = tpu.memref_slice %arg8[%dma_wait3A_82] : memref<16384xf32, #tpu.memory_space<vmem>> -> memref<8192xf32, #tpu.memory_space<vmem>>
      %dma_wait3A_84 = tpu.memref_slice %arg3[%add3A_9] : memref<524288xf32, #tpu.memory_space<hbm>> -> memref<8192xf32, #tpu.memory_space<hbm>>
      %dma_wait3A_85 = arith.constant 0 : i32
      %dma_wait3A_86 = tpu.memref_slice %arg8[%dma_wait3A_85] : memref<16384xf32, #tpu.memory_space<vmem>> -> memref<8192xf32, #tpu.memory_space<vmem>>
      %dma_wait3A_87 = tpu.memref_slice %arg3[%add3A_9] : memref<524288xf32, #tpu.memory_space<hbm>> -> memref<8192xf32, #tpu.memory_space<hbm>>
      tpu.wait_dma2 semaphore(%run_scoped3A : memref<!tpu.dma_semaphore, #tpu.memory_space<semaphore_mem>>) src(%dma_wait3A_87 : memref<8192xf32, #tpu.memory_space<hbm>>) dst(%dma_wait3A_86 : memref<8192xf32, #tpu.memory_space<vmem>>)
      tpu.yield
    }) : () -> ()
    %parallel_loop3A = arith.constant 0 : i32
    %parallel_loop3A_10 = arith.constant 8192 : i32
    %parallel_loop3A_11 = arith.constant 16 : i32
    "tpu.trace_stop"() : () -> ()
    "tpu.trace_start"() <{level = 10 : i32, message = "idx_phase"}> : () -> ()
    scf.for %parallel_loop3A_76 = %parallel_loop3A to %parallel_loop3A_10 step %parallel_loop3A_11  : i32 {
      %parallel_loop3A_77 = arith.constant 0 : i32
      %parallel_loop3A_78 = arith.addi %parallel_loop3A_77, %parallel_loop3A_76 : i32
      %parallel_loop3A_79 = arith.index_cast %parallel_loop3A_78 : i32 to index
      %parallel_loop3A_80 = tpu.vector_load %arg8[%parallel_loop3A_79] {strides = array<i32>} : memref<16384xf32, #tpu.memory_space<vmem>>, vector<16xf32>,
      %parallel_loop3A_81 = vector.shape_cast %parallel_loop3A_80 : vector<16xf32> to vector<16xf32>
      %parallel_loop3A_82 = arith.constant 0x497FFFF0 : f32
      %parallel_loop3A_83 = vector.broadcast %parallel_loop3A_82 : f32 to vector<16xf32>
      %parallel_loop3A_84 = arith.mulf %parallel_loop3A_81, %parallel_loop3A_83 : vector<16xf32>
      %parallel_loop3A_85 = arith.fptosi %parallel_loop3A_84 : vector<16xf32> to vector<16xi32>
      %parallel_loop3A_86 = arith.sitofp %parallel_loop3A_85 : vector<16xi32> to vector<16xf32>
      %parallel_loop3A_87 = arith.constant 9.53675226E-7 : f32
      %parallel_loop3A_88 = vector.broadcast %parallel_loop3A_87 : f32 to vector<16xf32>
      %parallel_loop3A_89 = arith.mulf %parallel_loop3A_86, %parallel_loop3A_88 : vector<16xf32>
      %parallel_loop3A_90 = arith.cmpf olt, %parallel_loop3A_89, %parallel_loop3A_81 : vector<16xf32>
      %parallel_loop3A_91 = arith.constant 1.000000e+00 : f32
      %parallel_loop3A_92 = arith.constant 0.000000e+00 : f32
      %parallel_loop3A_93 = vector.broadcast %parallel_loop3A_91 : f32 to vector<16xf32>
      %parallel_loop3A_94 = vector.broadcast %parallel_loop3A_92 : f32 to vector<16xf32>
      %parallel_loop3A_95 = arith.select %parallel_loop3A_90, %parallel_loop3A_93, %parallel_loop3A_94 : vector<16xi1>, vector<16xf32>
      %parallel_loop3A_96 = arith.addf %parallel_loop3A_86, %parallel_loop3A_95 : vector<16xf32>
      %parallel_loop3A_97 = arith.constant 1.000000e+00 : f32
      %parallel_loop3A_98 = vector.broadcast %parallel_loop3A_97 : f32 to vector<16xf32>
      %parallel_loop3A_99 = arith.addf %parallel_loop3A_86, %parallel_loop3A_98 : vector<16xf32>
      %parallel_loop3A_100 = arith.constant 9.53675226E-7 : f32
      %parallel_loop3A_101 = vector.broadcast %parallel_loop3A_100 : f32 to vector<16xf32>
      %parallel_loop3A_102 = arith.mulf %parallel_loop3A_99, %parallel_loop3A_101 : vector<16xf32>
      %parallel_loop3A_103 = arith.cmpf olt, %parallel_loop3A_102, %parallel_loop3A_81 : vector<16xf32>
      %parallel_loop3A_104 = arith.constant 1.000000e+00 : f32
      %parallel_loop3A_105 = arith.constant 0.000000e+00 : f32
      %parallel_loop3A_106 = vector.broadcast %parallel_loop3A_104 : f32 to vector<16xf32>
      %parallel_loop3A_107 = vector.broadcast %parallel_loop3A_105 : f32 to vector<16xf32>
      %parallel_loop3A_108 = arith.select %parallel_loop3A_103, %parallel_loop3A_106, %parallel_loop3A_107 : vector<16xi1>, vector<16xf32>
      %parallel_loop3A_109 = arith.addf %parallel_loop3A_96, %parallel_loop3A_108 : vector<16xf32>
      %parallel_loop3A_110 = arith.fptosi %parallel_loop3A_109 : vector<16xf32> to vector<16xi32>
      %parallel_loop3A_111 = arith.constant 0 : i32
      %parallel_loop3A_112 = arith.addi %parallel_loop3A_111, %parallel_loop3A_76 : i32
      %parallel_loop3A_113 = arith.index_cast %parallel_loop3A_112 : i32 to index
      %parallel_loop3A_114 = tpu.vector_load %arg9[%parallel_loop3A_113] {strides = array<i32>} : memref<16384xi32, #tpu.memory_space<vmem>>, vector<16xi32>,
      %parallel_loop3A_115 = vector.shape_cast %parallel_loop3A_114 : vector<16xi32> to vector<16xi32>
      %parallel_loop3A_116 = vector.shape_cast %parallel_loop3A_110 : vector<16xi32> to vector<16xi32>
      tpu.vector_store %arg9[%parallel_loop3A_113], %parallel_loop3A_116 {strides = array<i32>} : memref<16384xi32, #tpu.memory_space<vmem>>, vector<16xi32>,
    } {sc.loop_unroll_factor = 8 : i64, sc.parallel_access}
    "tpu.trace_stop"() : () -> ()
    "tpu.trace_start"() <{level = 10 : i32, message = "tbl_wait"}> : () -> ()
    %dma_wait3A = tpu.memref_slice %arg6[%mul3A_6] : memref<1048576xi32, #tpu.memory_space<vmem_shared>> -> memref<65536xi32, #tpu.memory_space<vmem_shared>>
    %dma_wait3A_12 = tpu.memref_slice %arg2[%mul3A_4] : memref<1048576xi32, #tpu.memory_space<hbm>> -> memref<65536xi32, #tpu.memory_space<hbm>>
    tpu.wait_dma2 semaphore(%arg12 : memref<!tpu.dma_semaphore, #tpu.memory_space<semaphore_mem>>) src(%dma_wait3A_12 : memref<65536xi32, #tpu.memory_space<hbm>>) dst(%dma_wait3A : memref<65536xi32, #tpu.memory_space<vmem_shared>>)
    %barrier3A = arith.constant 0 : index
    tpu.barrier barrier_id(%barrier3A)
    "tpu.trace_stop"() : () -> ()
    %dma_start3A_13 = arith.constant 0 : i32
    %dma_start3A_14 = tpu.memref_slice %arg9[%dma_start3A_13] : memref<16384xi32, #tpu.memory_space<vmem>> -> memref<8192xi32, #tpu.memory_space<vmem>>
    %dma_start3A_15 = arith.constant 0 : i32
    %dma_start3A_16 = tpu.memref_slice %arg6[%dma_start3A_15] : memref<1048576xi32, #tpu.memory_space<vmem_shared>> -> memref<1048576xi32, #tpu.memory_space<vmem_shared>>
    tpu.enqueue_indirect_dma source(%dma_start3A_16 : memref<1048576xi32, #tpu.memory_space<vmem_shared>>) target(%arg10 : memref<8192xi32, #tpu.memory_space<vmem>>) offsets(%dma_start3A_14 : memref<8192xi32, #tpu.memory_space<vmem>>) semaphore(%arg11 : memref<!tpu.dma_semaphore, #tpu.memory_space<semaphore_mem>>)
    %add3A_17 = arith.constant 8192 : i32
    %add3A_18 = arith.addi %mul3A_2, %add3A_17 : i32
    "tpu.trace_start"() <{level = 10 : i32, message = "stage_x"}> : () -> ()
    "tpu.region"() ({
      %run_scoped3A = tpu.sem_alloc : memref<!tpu.dma_semaphore, #tpu.memory_space<semaphore_mem>>
      %dma_start3A_76 = arith.constant 8192 : i32
      %dma_start3A_77 = tpu.memref_slice %arg8[%dma_start3A_76] : memref<16384xf32, #tpu.memory_space<vmem>> -> memref<8192xf32, #tpu.memory_space<vmem>>
      %dma_start3A_78 = tpu.memref_slice %arg3[%add3A_18] : memref<524288xf32, #tpu.memory_space<hbm>> -> memref<8192xf32, #tpu.memory_space<hbm>>
      %dma_start3A_79 = arith.constant 8192 : i32
      %dma_start3A_80 = tpu.memref_slice %arg8[%dma_start3A_79] : memref<16384xf32, #tpu.memory_space<vmem>> -> memref<8192xf32, #tpu.memory_space<vmem>>
      %dma_start3A_81 = tpu.memref_slice %arg3[%add3A_18] : memref<524288xf32, #tpu.memory_space<hbm>> -> memref<8192xf32, #tpu.memory_space<hbm>>
      tpu.enqueue_dma source(%dma_start3A_81 : memref<8192xf32, #tpu.memory_space<hbm>>) target(%dma_start3A_80 : memref<8192xf32, #tpu.memory_space<vmem>>) target_semaphore(%run_scoped3A : memref<!tpu.dma_semaphore, #tpu.memory_space<semaphore_mem>>)
      %dma_wait3A_82 = arith.constant 8192 : i32
      %dma_wait3A_83 = tpu.memref_slice %arg8[%dma_wait3A_82] : memref<16384xf32, #tpu.memory_space<vmem>> -> memref<8192xf32, #tpu.memory_space<vmem>>
      %dma_wait3A_84 = tpu.memref_slice %arg3[%add3A_18] : memref<524288xf32, #tpu.memory_space<hbm>> -> memref<8192xf32, #tpu.memory_space<hbm>>
      %dma_wait3A_85 = arith.constant 8192 : i32
      %dma_wait3A_86 = tpu.memref_slice %arg8[%dma_wait3A_85] : memref<16384xf32, #tpu.memory_space<vmem>> -> memref<8192xf32, #tpu.memory_space<vmem>>
      %dma_wait3A_87 = tpu.memref_slice %arg3[%add3A_18] : memref<524288xf32, #tpu.memory_space<hbm>> -> memref<8192xf32, #tpu.memory_space<hbm>>
      tpu.wait_dma2 semaphore(%run_scoped3A : memref<!tpu.dma_semaphore, #tpu.memory_space<semaphore_mem>>) src(%dma_wait3A_87 : memref<8192xf32, #tpu.memory_space<hbm>>) dst(%dma_wait3A_86 : memref<8192xf32, #tpu.memory_space<vmem>>)
      tpu.yield
    }) : () -> ()
    %parallel_loop3A_19 = arith.constant 0 : i32
    %parallel_loop3A_20 = arith.constant 8192 : i32
    %parallel_loop3A_21 = arith.constant 16 : i32
    "tpu.trace_stop"() : () -> ()
    "tpu.trace_start"() <{level = 10 : i32, message = "idx_phase"}> : () -> ()
    scf.for %parallel_loop3A_76 = %parallel_loop3A_19 to %parallel_loop3A_20 step %parallel_loop3A_21  : i32 {
      %parallel_loop3A_77 = arith.constant 8192 : i32
      %parallel_loop3A_78 = arith.addi %parallel_loop3A_77, %parallel_loop3A_76 : i32
      %parallel_loop3A_79 = arith.index_cast %parallel_loop3A_78 : i32 to index
      %parallel_loop3A_80 = tpu.vector_load %arg8[%parallel_loop3A_79] {strides = array<i32>} : memref<16384xf32, #tpu.memory_space<vmem>>, vector<16xf32>,
      %parallel_loop3A_81 = vector.shape_cast %parallel_loop3A_80 : vector<16xf32> to vector<16xf32>
      %parallel_loop3A_82 = arith.constant 0x497FFFF0 : f32
      %parallel_loop3A_83 = vector.broadcast %parallel_loop3A_82 : f32 to vector<16xf32>
      %parallel_loop3A_84 = arith.mulf %parallel_loop3A_81, %parallel_loop3A_83 : vector<16xf32>
      %parallel_loop3A_85 = arith.fptosi %parallel_loop3A_84 : vector<16xf32> to vector<16xi32>
      %parallel_loop3A_86 = arith.sitofp %parallel_loop3A_85 : vector<16xi32> to vector<16xf32>
      %parallel_loop3A_87 = arith.constant 9.53675226E-7 : f32
      %parallel_loop3A_88 = vector.broadcast %parallel_loop3A_87 : f32 to vector<16xf32>
      %parallel_loop3A_89 = arith.mulf %parallel_loop3A_86, %parallel_loop3A_88 : vector<16xf32>
      %parallel_loop3A_90 = arith.cmpf olt, %parallel_loop3A_89, %parallel_loop3A_81 : vector<16xf32>
      %parallel_loop3A_91 = arith.constant 1.000000e+00 : f32
      %parallel_loop3A_92 = arith.constant 0.000000e+00 : f32
      %parallel_loop3A_93 = vector.broadcast %parallel_loop3A_91 : f32 to vector<16xf32>
      %parallel_loop3A_94 = vector.broadcast %parallel_loop3A_92 : f32 to vector<16xf32>
      %parallel_loop3A_95 = arith.select %parallel_loop3A_90, %parallel_loop3A_93, %parallel_loop3A_94 : vector<16xi1>, vector<16xf32>
      %parallel_loop3A_96 = arith.addf %parallel_loop3A_86, %parallel_loop3A_95 : vector<16xf32>
      %parallel_loop3A_97 = arith.constant 1.000000e+00 : f32
      %parallel_loop3A_98 = vector.broadcast %parallel_loop3A_97 : f32 to vector<16xf32>
      %parallel_loop3A_99 = arith.addf %parallel_loop3A_86, %parallel_loop3A_98 : vector<16xf32>
      %parallel_loop3A_100 = arith.constant 9.53675226E-7 : f32
      %parallel_loop3A_101 = vector.broadcast %parallel_loop3A_100 : f32 to vector<16xf32>
      %parallel_loop3A_102 = arith.mulf %parallel_loop3A_99, %parallel_loop3A_101 : vector<16xf32>
      %parallel_loop3A_103 = arith.cmpf olt, %parallel_loop3A_102, %parallel_loop3A_81 : vector<16xf32>
      %parallel_loop3A_104 = arith.constant 1.000000e+00 : f32
      %parallel_loop3A_105 = arith.constant 0.000000e+00 : f32
      %parallel_loop3A_106 = vector.broadcast %parallel_loop3A_104 : f32 to vector<16xf32>
      %parallel_loop3A_107 = vector.broadcast %parallel_loop3A_105 : f32 to vector<16xf32>
      %parallel_loop3A_108 = arith.select %parallel_loop3A_103, %parallel_loop3A_106, %parallel_loop3A_107 : vector<16xi1>, vector<16xf32>
      %parallel_loop3A_109 = arith.addf %parallel_loop3A_96, %parallel_loop3A_108 : vector<16xf32>
      %parallel_loop3A_110 = arith.fptosi %parallel_loop3A_109 : vector<16xf32> to vector<16xi32>
      %parallel_loop3A_111 = arith.constant 8192 : i32
      %parallel_loop3A_112 = arith.addi %parallel_loop3A_111, %parallel_loop3A_76 : i32
      %parallel_loop3A_113 = arith.index_cast %parallel_loop3A_112 : i32 to index
      %parallel_loop3A_114 = tpu.vector_load %arg9[%parallel_loop3A_113] {strides = array<i32>} : memref<16384xi32, #tpu.memory_space<vmem>>, vector<16xi32>,
      %parallel_loop3A_115 = vector.shape_cast %parallel_loop3A_114 : vector<16xi32> to vector<16xi32>
      %parallel_loop3A_116 = vector.shape_cast %parallel_loop3A_110 : vector<16xi32> to vector<16xi32>
      tpu.vector_store %arg9[%parallel_loop3A_113], %parallel_loop3A_116 {strides = array<i32>} : memref<16384xi32, #tpu.memory_space<vmem>>, vector<16xi32>,
    } {sc.loop_unroll_factor = 8 : i64, sc.parallel_access}
    "tpu.trace_stop"() : () -> ()
    "tpu.trace_start"() <{level = 10 : i32, message = "gather_wait"}> : () -> ()
    %dma_wait3A_22 = arith.constant 0 : i32
    %dma_wait3A_23 = tpu.memref_slice %arg9[%dma_wait3A_22] : memref<16384xi32, #tpu.memory_space<vmem>> -> memref<8192xi32, #tpu.memory_space<vmem>>
    %dma_wait3A_24 = arith.constant 0 : i32
    %dma_wait3A_25 = tpu.memref_slice %arg6[%dma_wait3A_24] : memref<1048576xi32, #tpu.memory_space<vmem_shared>> -> memref<1048576xi32, #tpu.memory_space<vmem_shared>>
    tpu.wait_indirect_dma semaphore(%arg11 : memref<!tpu.dma_semaphore, #tpu.memory_space<semaphore_mem>>) src(%dma_wait3A_25 : memref<1048576xi32, #tpu.memory_space<vmem_shared>>) dst(%arg10 : memref<8192xi32, #tpu.memory_space<vmem>>)
    %parallel_loop3A_26 = arith.constant 0 : i32
    %parallel_loop3A_27 = arith.constant 8192 : i32
    %parallel_loop3A_28 = arith.constant 16 : i32
    %parallel_loop3A_29 = arith.constant -65536 : i32
    "tpu.trace_stop"() : () -> ()
    "tpu.trace_start"() <{level = 10 : i32, message = "interp_phase"}> : () -> ()
    scf.for %parallel_loop3A_76 = %parallel_loop3A_26 to %parallel_loop3A_27 step %parallel_loop3A_28  : i32 {
      %parallel_loop3A_77 = arith.constant 0 : i32
      %parallel_loop3A_78 = arith.addi %parallel_loop3A_77, %parallel_loop3A_76 : i32
      %parallel_loop3A_79 = arith.index_cast %parallel_loop3A_78 : i32 to index
      %parallel_loop3A_80 = tpu.vector_load %arg8[%parallel_loop3A_79] {strides = array<i32>} : memref<16384xf32, #tpu.memory_space<vmem>>, vector<16xf32>,
      %parallel_loop3A_81 = vector.shape_cast %parallel_loop3A_80 : vector<16xf32> to vector<16xf32>
      %parallel_loop3A_82 = arith.index_cast %parallel_loop3A_76 : i32 to index
      %parallel_loop3A_83 = tpu.vector_load %arg10[%parallel_loop3A_82] {strides = array<i32>} : memref<8192xi32, #tpu.memory_space<vmem>>, vector<16xi32>,
      %parallel_loop3A_84 = vector.shape_cast %parallel_loop3A_83 : vector<16xi32> to vector<16xi32>
      %parallel_loop3A_85 = arith.constant 0 : i32
      %parallel_loop3A_86 = arith.addi %parallel_loop3A_85, %parallel_loop3A_76 : i32
      %parallel_loop3A_87 = arith.index_cast %parallel_loop3A_86 : i32 to index
      %parallel_loop3A_88 = tpu.vector_load %arg9[%parallel_loop3A_87] {strides = array<i32>} : memref<16384xi32, #tpu.memory_space<vmem>>, vector<16xi32>,
      %parallel_loop3A_89 = vector.shape_cast %parallel_loop3A_88 : vector<16xi32> to vector<16xi32>
      %parallel_loop3A_90 = arith.sitofp %parallel_loop3A_89 : vector<16xi32> to vector<16xf32>
      %parallel_loop3A_91 = vector.broadcast %parallel_loop3A_29 : i32 to vector<16xi32>
      %parallel_loop3A_92 = arith.andi %parallel_loop3A_84, %parallel_loop3A_91 : vector<16xi32>
      %parallel_loop3A_93 = tpu.bitcast %parallel_loop3A_92 : vector<16xi32> -> vector<16xf32>
      %parallel_loop3A_94 = arith.constant 16 : i32
      %parallel_loop3A_95 = vector.broadcast %parallel_loop3A_94 : i32 to vector<16xi32>
      %parallel_loop3A_96 = arith.shli %parallel_loop3A_84, %parallel_loop3A_95 : vector<16xi32>
      %parallel_loop3A_97 = tpu.bitcast %parallel_loop3A_96 : vector<16xi32> -> vector<16xf32>
      %parallel_loop3A_98 = arith.constant 9.53675226E-7 : f32
      %parallel_loop3A_99 = vector.broadcast %parallel_loop3A_98 : f32 to vector<16xf32>
      %parallel_loop3A_100 = arith.mulf %parallel_loop3A_90, %parallel_loop3A_99 : vector<16xf32>
      %parallel_loop3A_101 = arith.subf %parallel_loop3A_81, %parallel_loop3A_100 : vector<16xf32>
      %parallel_loop3A_102 = arith.mulf %parallel_loop3A_97, %parallel_loop3A_101 : vector<16xf32>
      %parallel_loop3A_103 = arith.addf %parallel_loop3A_93, %parallel_loop3A_102 : vector<16xf32>
      %parallel_loop3A_104 = arith.constant 0 : i32
      %parallel_loop3A_105 = arith.addi %parallel_loop3A_104, %parallel_loop3A_76 : i32
      %parallel_loop3A_106 = arith.index_cast %parallel_loop3A_105 : i32 to index
      %parallel_loop3A_107 = tpu.vector_load %arg7[%parallel_loop3A_106] {strides = array<i32>} : memref<16384xf32, #tpu.memory_space<vmem>>, vector<16xf32>,
      %parallel_loop3A_108 = vector.shape_cast %parallel_loop3A_107 : vector<16xf32> to vector<16xf32>
      %parallel_loop3A_109 = vector.shape_cast %parallel_loop3A_103 : vector<16xf32> to vector<16xf32>
      tpu.vector_store %arg7[%parallel_loop3A_106], %parallel_loop3A_109 {strides = array<i32>} : memref<16384xf32, #tpu.memory_space<vmem>>, vector<16xf32>,
    } {sc.loop_unroll_factor = 8 : i64, sc.parallel_access}
    "tpu.trace_stop"() : () -> ()
    %dma_start3A_30 = arith.constant 8192 : i32
    %dma_start3A_31 = tpu.memref_slice %arg9[%dma_start3A_30] : memref<16384xi32, #tpu.memory_space<vmem>> -> memref<8192xi32, #tpu.memory_space<vmem>>
    %dma_start3A_32 = arith.constant 0 : i32
    %dma_start3A_33 = tpu.memref_slice %arg6[%dma_start3A_32] : memref<1048576xi32, #tpu.memory_space<vmem_shared>> -> memref<1048576xi32, #tpu.memory_space<vmem_shared>>
    tpu.enqueue_indirect_dma source(%dma_start3A_33 : memref<1048576xi32, #tpu.memory_space<vmem_shared>>) target(%arg10 : memref<8192xi32, #tpu.memory_space<vmem>>) offsets(%dma_start3A_31 : memref<8192xi32, #tpu.memory_space<vmem>>) semaphore(%arg11 : memref<!tpu.dma_semaphore, #tpu.memory_space<semaphore_mem>>)
    %add3A_34 = arith.constant 0 : i32
    %add3A_35 = arith.addi %mul3A_2, %add3A_34 : i32
    "tpu.trace_start"() <{level = 10 : i32, message = "stage_x"}> : () -> ()
    "tpu.region"() ({
      %run_scoped3A = tpu.sem_alloc : memref<!tpu.dma_semaphore, #tpu.memory_space<semaphore_mem>>
      %dma_start3A_76 = arith.constant 0 : i32
      %dma_start3A_77 = tpu.memref_slice %arg8[%dma_start3A_76] : memref<16384xf32, #tpu.memory_space<vmem>> -> memref<8192xf32, #tpu.memory_space<vmem>>
      %dma_start3A_78 = tpu.memref_slice %arg4[%add3A_35] : memref<524288xf32, #tpu.memory_space<hbm>> -> memref<8192xf32, #tpu.memory_space<hbm>>
      %dma_start3A_79 = arith.constant 0 : i32
      %dma_start3A_80 = tpu.memref_slice %arg8[%dma_start3A_79] : memref<16384xf32, #tpu.memory_space<vmem>> -> memref<8192xf32, #tpu.memory_space<vmem>>
      %dma_start3A_81 = tpu.memref_slice %arg4[%add3A_35] : memref<524288xf32, #tpu.memory_space<hbm>> -> memref<8192xf32, #tpu.memory_space<hbm>>
      tpu.enqueue_dma source(%dma_start3A_81 : memref<8192xf32, #tpu.memory_space<hbm>>) target(%dma_start3A_80 : memref<8192xf32, #tpu.memory_space<vmem>>) target_semaphore(%run_scoped3A : memref<!tpu.dma_semaphore, #tpu.memory_space<semaphore_mem>>)
      %dma_wait3A_82 = arith.constant 0 : i32
      %dma_wait3A_83 = tpu.memref_slice %arg8[%dma_wait3A_82] : memref<16384xf32, #tpu.memory_space<vmem>> -> memref<8192xf32, #tpu.memory_space<vmem>>
      %dma_wait3A_84 = tpu.memref_slice %arg4[%add3A_35] : memref<524288xf32, #tpu.memory_space<hbm>> -> memref<8192xf32, #tpu.memory_space<hbm>>
      %dma_wait3A_85 = arith.constant 0 : i32
      %dma_wait3A_86 = tpu.memref_slice %arg8[%dma_wait3A_85] : memref<16384xf32, #tpu.memory_space<vmem>> -> memref<8192xf32, #tpu.memory_space<vmem>>
      %dma_wait3A_87 = tpu.memref_slice %arg4[%add3A_35] : memref<524288xf32, #tpu.memory_space<hbm>> -> memref<8192xf32, #tpu.memory_space<hbm>>
      tpu.wait_dma2 semaphore(%run_scoped3A : memref<!tpu.dma_semaphore, #tpu.memory_space<semaphore_mem>>) src(%dma_wait3A_87 : memref<8192xf32, #tpu.memory_space<hbm>>) dst(%dma_wait3A_86 : memref<8192xf32, #tpu.memory_space<vmem>>)
      tpu.yield
    }) : () -> ()
    %parallel_loop3A_36 = arith.constant 0 : i32
    %parallel_loop3A_37 = arith.constant 8192 : i32
    %parallel_loop3A_38 = arith.constant 16 : i32
    "tpu.trace_stop"() : () -> ()
    "tpu.trace_start"() <{level = 10 : i32, message = "idx_phase"}> : () -> ()
    scf.for %parallel_loop3A_76 = %parallel_loop3A_36 to %parallel_loop3A_37 step %parallel_loop3A_38  : i32 {
      %parallel_loop3A_77 = arith.constant 0 : i32
      %parallel_loop3A_78 = arith.addi %parallel_loop3A_77, %parallel_loop3A_76 : i32
      %parallel_loop3A_79 = arith.index_cast %parallel_loop3A_78 : i32 to index
      %parallel_loop3A_80 = tpu.vector_load %arg8[%parallel_loop3A_79] {strides = array<i32>} : memref<16384xf32, #tpu.memory_space<vmem>>, vector<16xf32>,
      %parallel_loop3A_81 = vector.shape_cast %parallel_loop3A_80 : vector<16xf32> to vector<16xf32>
      %parallel_loop3A_82 = arith.constant 0x497FFFF0 : f32
      %parallel_loop3A_83 = vector.broadcast %parallel_loop3A_82 : f32 to vector<16xf32>
      %parallel_loop3A_84 = arith.mulf %parallel_loop3A_81, %parallel_loop3A_83 : vector<16xf32>
      %parallel_loop3A_85 = arith.fptosi %parallel_loop3A_84 : vector<16xf32> to vector<16xi32>
      %parallel_loop3A_86 = arith.sitofp %parallel_loop3A_85 : vector<16xi32> to vector<16xf32>
      %parallel_loop3A_87 = arith.constant 9.53675226E-7 : f32
      %parallel_loop3A_88 = vector.broadcast %parallel_loop3A_87 : f32 to vector<16xf32>
      %parallel_loop3A_89 = arith.mulf %parallel_loop3A_86, %parallel_loop3A_88 : vector<16xf32>
      %parallel_loop3A_90 = arith.cmpf olt, %parallel_loop3A_89, %parallel_loop3A_81 : vector<16xf32>
      %parallel_loop3A_91 = arith.constant 1.000000e+00 : f32
      %parallel_loop3A_92 = arith.constant 0.000000e+00 : f32
      %parallel_loop3A_93 = vector.broadcast %parallel_loop3A_91 : f32 to vector<16xf32>
      %parallel_loop3A_94 = vector.broadcast %parallel_loop3A_92 : f32 to vector<16xf32>
      %parallel_loop3A_95 = arith.select %parallel_loop3A_90, %parallel_loop3A_93, %parallel_loop3A_94 : vector<16xi1>, vector<16xf32>
      %parallel_loop3A_96 = arith.addf %parallel_loop3A_86, %parallel_loop3A_95 : vector<16xf32>
      %parallel_loop3A_97 = arith.constant 1.000000e+00 : f32
      %parallel_loop3A_98 = vector.broadcast %parallel_loop3A_97 : f32 to vector<16xf32>
      %parallel_loop3A_99 = arith.addf %parallel_loop3A_86, %parallel_loop3A_98 : vector<16xf32>
      %parallel_loop3A_100 = arith.constant 9.53675226E-7 : f32
      %parallel_loop3A_101 = vector.broadcast %parallel_loop3A_100 : f32 to vector<16xf32>
      %parallel_loop3A_102 = arith.mulf %parallel_loop3A_99, %parallel_loop3A_101 : vector<16xf32>
      %parallel_loop3A_103 = arith.cmpf olt, %parallel_loop3A_102, %parallel_loop3A_81 : vector<16xf32>
      %parallel_loop3A_104 = arith.constant 1.000000e+00 : f32
      %parallel_loop3A_105 = arith.constant 0.000000e+00 : f32
      %parallel_loop3A_106 = vector.broadcast %parallel_loop3A_104 : f32 to vector<16xf32>
      %parallel_loop3A_107 = vector.broadcast %parallel_loop3A_105 : f32 to vector<16xf32>
      %parallel_loop3A_108 = arith.select %parallel_loop3A_103, %parallel_loop3A_106, %parallel_loop3A_107 : vector<16xi1>, vector<16xf32>
      %parallel_loop3A_109 = arith.addf %parallel_loop3A_96, %parallel_loop3A_108 : vector<16xf32>
      %parallel_loop3A_110 = arith.fptosi %parallel_loop3A_109 : vector<16xf32> to vector<16xi32>
      %parallel_loop3A_111 = arith.constant 0 : i32
      %parallel_loop3A_112 = arith.addi %parallel_loop3A_111, %parallel_loop3A_76 : i32
      %parallel_loop3A_113 = arith.index_cast %parallel_loop3A_112 : i32 to index
      %parallel_loop3A_114 = tpu.vector_load %arg9[%parallel_loop3A_113] {strides = array<i32>} : memref<16384xi32, #tpu.memory_space<vmem>>, vector<16xi32>,
      %parallel_loop3A_115 = vector.shape_cast %parallel_loop3A_114 : vector<16xi32> to vector<16xi32>
      %parallel_loop3A_116 = vector.shape_cast %parallel_loop3A_110 : vector<16xi32> to vector<16xi32>
      tpu.vector_store %arg9[%parallel_loop3A_113], %parallel_loop3A_116 {strides = array<i32>} : memref<16384xi32, #tpu.memory_space<vmem>>, vector<16xi32>,
    } {sc.loop_unroll_factor = 8 : i64, sc.parallel_access}
    "tpu.trace_stop"() : () -> ()
    "tpu.trace_start"() <{level = 10 : i32, message = "gather_wait"}> : () -> ()
    %dma_wait3A_39 = arith.constant 8192 : i32
    %dma_wait3A_40 = tpu.memref_slice %arg9[%dma_wait3A_39] : memref<16384xi32, #tpu.memory_space<vmem>> -> memref<8192xi32, #tpu.memory_space<vmem>>
    %dma_wait3A_41 = arith.constant 0 : i32
    %dma_wait3A_42 = tpu.memref_slice %arg6[%dma_wait3A_41] : memref<1048576xi32, #tpu.memory_space<vmem_shared>> -> memref<1048576xi32, #tpu.memory_space<vmem_shared>>
    tpu.wait_indirect_dma semaphore(%arg11 : memref<!tpu.dma_semaphore, #tpu.memory_space<semaphore_mem>>) src(%dma_wait3A_42 : memref<1048576xi32, #tpu.memory_space<vmem_shared>>) dst(%arg10 : memref<8192xi32, #tpu.memory_space<vmem>>)
    %parallel_loop3A_43 = arith.constant 0 : i32
    %parallel_loop3A_44 = arith.constant 8192 : i32
    %parallel_loop3A_45 = arith.constant 16 : i32
    %parallel_loop3A_46 = arith.constant -65536 : i32
    "tpu.trace_stop"() : () -> ()
    "tpu.trace_start"() <{level = 10 : i32, message = "interp_phase"}> : () -> ()
    scf.for %parallel_loop3A_76 = %parallel_loop3A_43 to %parallel_loop3A_44 step %parallel_loop3A_45  : i32 {
      %parallel_loop3A_77 = arith.constant 8192 : i32
      %parallel_loop3A_78 = arith.addi %parallel_loop3A_77, %parallel_loop3A_76 : i32
      %parallel_loop3A_79 = arith.index_cast %parallel_loop3A_78 : i32 to index
      %parallel_loop3A_80 = tpu.vector_load %arg8[%parallel_loop3A_79] {strides = array<i32>} : memref<16384xf32, #tpu.memory_space<vmem>>, vector<16xf32>,
      %parallel_loop3A_81 = vector.shape_cast %parallel_loop3A_80 : vector<16xf32> to vector<16xf32>
      %parallel_loop3A_82 = arith.index_cast %parallel_loop3A_76 : i32 to index
      %parallel_loop3A_83 = tpu.vector_load %arg10[%parallel_loop3A_82] {strides = array<i32>} : memref<8192xi32, #tpu.memory_space<vmem>>, vector<16xi32>,
      %parallel_loop3A_84 = vector.shape_cast %parallel_loop3A_83 : vector<16xi32> to vector<16xi32>
      %parallel_loop3A_85 = arith.constant 8192 : i32
      %parallel_loop3A_86 = arith.addi %parallel_loop3A_85, %parallel_loop3A_76 : i32
      %parallel_loop3A_87 = arith.index_cast %parallel_loop3A_86 : i32 to index
      %parallel_loop3A_88 = tpu.vector_load %arg9[%parallel_loop3A_87] {strides = array<i32>} : memref<16384xi32, #tpu.memory_space<vmem>>, vector<16xi32>,
      %parallel_loop3A_89 = vector.shape_cast %parallel_loop3A_88 : vector<16xi32> to vector<16xi32>
      %parallel_loop3A_90 = arith.sitofp %parallel_loop3A_89 : vector<16xi32> to vector<16xf32>
      %parallel_loop3A_91 = vector.broadcast %parallel_loop3A_46 : i32 to vector<16xi32>
      %parallel_loop3A_92 = arith.andi %parallel_loop3A_84, %parallel_loop3A_91 : vector<16xi32>
      %parallel_loop3A_93 = tpu.bitcast %parallel_loop3A_92 : vector<16xi32> -> vector<16xf32>
      %parallel_loop3A_94 = arith.constant 16 : i32
      %parallel_loop3A_95 = vector.broadcast %parallel_loop3A_94 : i32 to vector<16xi32>
      %parallel_loop3A_96 = arith.shli %parallel_loop3A_84, %parallel_loop3A_95 : vector<16xi32>
      %parallel_loop3A_97 = tpu.bitcast %parallel_loop3A_96 : vector<16xi32> -> vector<16xf32>
      %parallel_loop3A_98 = arith.constant 9.53675226E-7 : f32
      %parallel_loop3A_99 = vector.broadcast %parallel_loop3A_98 : f32 to vector<16xf32>
      %parallel_loop3A_100 = arith.mulf %parallel_loop3A_90, %parallel_loop3A_99 : vector<16xf32>
      %parallel_loop3A_101 = arith.subf %parallel_loop3A_81, %parallel_loop3A_100 : vector<16xf32>
      %parallel_loop3A_102 = arith.mulf %parallel_loop3A_97, %parallel_loop3A_101 : vector<16xf32>
      %parallel_loop3A_103 = arith.addf %parallel_loop3A_93, %parallel_loop3A_102 : vector<16xf32>
      %parallel_loop3A_104 = arith.constant 8192 : i32
      %parallel_loop3A_105 = arith.addi %parallel_loop3A_104, %parallel_loop3A_76 : i32
      %parallel_loop3A_106 = arith.index_cast %parallel_loop3A_105 : i32 to index
      %parallel_loop3A_107 = tpu.vector_load %arg7[%parallel_loop3A_106] {strides = array<i32>} : memref<16384xf32, #tpu.memory_space<vmem>>, vector<16xf32>,
      %parallel_loop3A_108 = vector.shape_cast %parallel_loop3A_107 : vector<16xf32> to vector<16xf32>
      %parallel_loop3A_109 = vector.shape_cast %parallel_loop3A_103 : vector<16xf32> to vector<16xf32>
      tpu.vector_store %arg7[%parallel_loop3A_106], %parallel_loop3A_109 {strides = array<i32>} : memref<16384xf32, #tpu.memory_space<vmem>>, vector<16xf32>,
    } {sc.loop_unroll_factor = 8 : i64, sc.parallel_access}
    "tpu.trace_stop"() : () -> ()
    %dma_start3A_47 = arith.constant 0 : i32
    %dma_start3A_48 = tpu.memref_slice %arg9[%dma_start3A_47] : memref<16384xi32, #tpu.memory_space<vmem>> -> memref<8192xi32, #tpu.memory_space<vmem>>
    %dma_start3A_49 = arith.constant 0 : i32
    %dma_start3A_50 = tpu.memref_slice %arg6[%dma_start3A_49] : memref<1048576xi32, #tpu.memory_space<vmem_shared>> -> memref<1048576xi32, #tpu.memory_space<vmem_shared>>
    tpu.enqueue_indirect_dma source(%dma_start3A_50 : memref<1048576xi32, #tpu.memory_space<vmem_shared>>) target(%arg10 : memref<8192xi32, #tpu.memory_space<vmem>>) offsets(%dma_start3A_48 : memref<8192xi32, #tpu.memory_space<vmem>>) semaphore(%arg11 : memref<!tpu.dma_semaphore, #tpu.memory_space<semaphore_mem>>)
    %add3A_51 = arith.constant 8192 : i32
    %add3A_52 = arith.addi %mul3A_2, %add3A_51 : i32
    "tpu.trace_start"() <{level = 10 : i32, message = "stage_x"}> : () -> ()
    "tpu.region"() ({
      %run_scoped3A = tpu.sem_alloc : memref<!tpu.dma_semaphore, #tpu.memory_space<semaphore_mem>>
      %dma_start3A_76 = arith.constant 8192 : i32
      %dma_start3A_77 = tpu.memref_slice %arg8[%dma_start3A_76] : memref<16384xf32, #tpu.memory_space<vmem>> -> memref<8192xf32, #tpu.memory_space<vmem>>
      %dma_start3A_78 = tpu.memref_slice %arg4[%add3A_52] : memref<524288xf32, #tpu.memory_space<hbm>> -> memref<8192xf32, #tpu.memory_space<hbm>>
      %dma_start3A_79 = arith.constant 8192 : i32
      %dma_start3A_80 = tpu.memref_slice %arg8[%dma_start3A_79] : memref<16384xf32, #tpu.memory_space<vmem>> -> memref<8192xf32, #tpu.memory_space<vmem>>
      %dma_start3A_81 = tpu.memref_slice %arg4[%add3A_52] : memref<524288xf32, #tpu.memory_space<hbm>> -> memref<8192xf32, #tpu.memory_space<hbm>>
      tpu.enqueue_dma source(%dma_start3A_81 : memref<8192xf32, #tpu.memory_space<hbm>>) target(%dma_start3A_80 : memref<8192xf32, #tpu.memory_space<vmem>>) target_semaphore(%run_scoped3A : memref<!tpu.dma_semaphore, #tpu.memory_space<semaphore_mem>>)
      %dma_wait3A_82 = arith.constant 8192 : i32
      %dma_wait3A_83 = tpu.memref_slice %arg8[%dma_wait3A_82] : memref<16384xf32, #tpu.memory_space<vmem>> -> memref<8192xf32, #tpu.memory_space<vmem>>
      %dma_wait3A_84 = tpu.memref_slice %arg4[%add3A_52] : memref<524288xf32, #tpu.memory_space<hbm>> -> memref<8192xf32, #tpu.memory_space<hbm>>
      %dma_wait3A_85 = arith.constant 8192 : i32
      %dma_wait3A_86 = tpu.memref_slice %arg8[%dma_wait3A_85] : memref<16384xf32, #tpu.memory_space<vmem>> -> memref<8192xf32, #tpu.memory_space<vmem>>
      %dma_wait3A_87 = tpu.memref_slice %arg4[%add3A_52] : memref<524288xf32, #tpu.memory_space<hbm>> -> memref<8192xf32, #tpu.memory_space<hbm>>
      tpu.wait_dma2 semaphore(%run_scoped3A : memref<!tpu.dma_semaphore, #tpu.memory_space<semaphore_mem>>) src(%dma_wait3A_87 : memref<8192xf32, #tpu.memory_space<hbm>>) dst(%dma_wait3A_86 : memref<8192xf32, #tpu.memory_space<vmem>>)
      tpu.yield
    }) : () -> ()
    %parallel_loop3A_53 = arith.constant 0 : i32
    %parallel_loop3A_54 = arith.constant 8192 : i32
    %parallel_loop3A_55 = arith.constant 16 : i32
    "tpu.trace_stop"() : () -> ()
    "tpu.trace_start"() <{level = 10 : i32, message = "idx_phase"}> : () -> ()
    scf.for %parallel_loop3A_76 = %parallel_loop3A_53 to %parallel_loop3A_54 step %parallel_loop3A_55  : i32 {
      %parallel_loop3A_77 = arith.constant 8192 : i32
      %parallel_loop3A_78 = arith.addi %parallel_loop3A_77, %parallel_loop3A_76 : i32
      %parallel_loop3A_79 = arith.index_cast %parallel_loop3A_78 : i32 to index
      %parallel_loop3A_80 = tpu.vector_load %arg8[%parallel_loop3A_79] {strides = array<i32>} : memref<16384xf32, #tpu.memory_space<vmem>>, vector<16xf32>,
      %parallel_loop3A_81 = vector.shape_cast %parallel_loop3A_80 : vector<16xf32> to vector<16xf32>
      %parallel_loop3A_82 = arith.constant 0x497FFFF0 : f32
      %parallel_loop3A_83 = vector.broadcast %parallel_loop3A_82 : f32 to vector<16xf32>
      %parallel_loop3A_84 = arith.mulf %parallel_loop3A_81, %parallel_loop3A_83 : vector<16xf32>
      %parallel_loop3A_85 = arith.fptosi %parallel_loop3A_84 : vector<16xf32> to vector<16xi32>
      %parallel_loop3A_86 = arith.sitofp %parallel_loop3A_85 : vector<16xi32> to vector<16xf32>
      %parallel_loop3A_87 = arith.constant 9.53675226E-7 : f32
      %parallel_loop3A_88 = vector.broadcast %parallel_loop3A_87 : f32 to vector<16xf32>
      %parallel_loop3A_89 = arith.mulf %parallel_loop3A_86, %parallel_loop3A_88 : vector<16xf32>
      %parallel_loop3A_90 = arith.cmpf olt, %parallel_loop3A_89, %parallel_loop3A_81 : vector<16xf32>
      %parallel_loop3A_91 = arith.constant 1.000000e+00 : f32
      %parallel_loop3A_92 = arith.constant 0.000000e+00 : f32
      %parallel_loop3A_93 = vector.broadcast %parallel_loop3A_91 : f32 to vector<16xf32>
      %parallel_loop3A_94 = vector.broadcast %parallel_loop3A_92 : f32 to vector<16xf32>
      %parallel_loop3A_95 = arith.select %parallel_loop3A_90, %parallel_loop3A_93, %parallel_loop3A_94 : vector<16xi1>, vector<16xf32>
      %parallel_loop3A_96 = arith.addf %parallel_loop3A_86, %parallel_loop3A_95 : vector<16xf32>
      %parallel_loop3A_97 = arith.constant 1.000000e+00 : f32
      %parallel_loop3A_98 = vector.broadcast %parallel_loop3A_97 : f32 to vector<16xf32>
      %parallel_loop3A_99 = arith.addf %parallel_loop3A_86, %parallel_loop3A_98 : vector<16xf32>
      %parallel_loop3A_100 = arith.constant 9.53675226E-7 : f32
      %parallel_loop3A_101 = vector.broadcast %parallel_loop3A_100 : f32 to vector<16xf32>
      %parallel_loop3A_102 = arith.mulf %parallel_loop3A_99, %parallel_loop3A_101 : vector<16xf32>
      %parallel_loop3A_103 = arith.cmpf olt, %parallel_loop3A_102, %parallel_loop3A_81 : vector<16xf32>
      %parallel_loop3A_104 = arith.constant 1.000000e+00 : f32
      %parallel_loop3A_105 = arith.constant 0.000000e+00 : f32
      %parallel_loop3A_106 = vector.broadcast %parallel_loop3A_104 : f32 to vector<16xf32>
      %parallel_loop3A_107 = vector.broadcast %parallel_loop3A_105 : f32 to vector<16xf32>
      %parallel_loop3A_108 = arith.select %parallel_loop3A_103, %parallel_loop3A_106, %parallel_loop3A_107 : vector<16xi1>, vector<16xf32>
      %parallel_loop3A_109 = arith.addf %parallel_loop3A_96, %parallel_loop3A_108 : vector<16xf32>
      %parallel_loop3A_110 = arith.fptosi %parallel_loop3A_109 : vector<16xf32> to vector<16xi32>
      %parallel_loop3A_111 = arith.constant 8192 : i32
      %parallel_loop3A_112 = arith.addi %parallel_loop3A_111, %parallel_loop3A_76 : i32
      %parallel_loop3A_113 = arith.index_cast %parallel_loop3A_112 : i32 to index
      %parallel_loop3A_114 = tpu.vector_load %arg9[%parallel_loop3A_113] {strides = array<i32>} : memref<16384xi32, #tpu.memory_space<vmem>>, vector<16xi32>,
      %parallel_loop3A_115 = vector.shape_cast %parallel_loop3A_114 : vector<16xi32> to vector<16xi32>
      %parallel_loop3A_116 = vector.shape_cast %parallel_loop3A_110 : vector<16xi32> to vector<16xi32>
      tpu.vector_store %arg9[%parallel_loop3A_113], %parallel_loop3A_116 {strides = array<i32>} : memref<16384xi32, #tpu.memory_space<vmem>>, vector<16xi32>,
    } {sc.loop_unroll_factor = 8 : i64, sc.parallel_access}
    "tpu.trace_stop"() : () -> ()
    "tpu.trace_start"() <{level = 10 : i32, message = "gather_wait"}> : () -> ()
    %dma_wait3A_56 = arith.constant 0 : i32
    %dma_wait3A_57 = tpu.memref_slice %arg9[%dma_wait3A_56] : memref<16384xi32, #tpu.memory_space<vmem>> -> memref<8192xi32, #tpu.memory_space<vmem>>
    %dma_wait3A_58 = arith.constant 0 : i32
    %dma_wait3A_59 = tpu.memref_slice %arg6[%dma_wait3A_58] : memref<1048576xi32, #tpu.memory_space<vmem_shared>> -> memref<1048576xi32, #tpu.memory_space<vmem_shared>>
    tpu.wait_indirect_dma semaphore(%arg11 : memref<!tpu.dma_semaphore, #tpu.memory_space<semaphore_mem>>) src(%dma_wait3A_59 : memref<1048576xi32, #tpu.memory_space<vmem_shared>>) dst(%arg10 : memref<8192xi32, #tpu.memory_space<vmem>>)
    %parallel_loop3A_60 = arith.constant 0 : i32
    %parallel_loop3A_61 = arith.constant 8192 : i32
    %parallel_loop3A_62 = arith.constant 16 : i32
    %parallel_loop3A_63 = arith.constant -65536 : i32
    "tpu.trace_stop"() : () -> ()
    "tpu.trace_start"() <{level = 10 : i32, message = "interp_mean_phase"}> : () -> ()
    scf.for %parallel_loop3A_76 = %parallel_loop3A_60 to %parallel_loop3A_61 step %parallel_loop3A_62  : i32 {
      %parallel_loop3A_77 = arith.constant 0 : i32
      %parallel_loop3A_78 = arith.addi %parallel_loop3A_77, %parallel_loop3A_76 : i32
      %parallel_loop3A_79 = arith.index_cast %parallel_loop3A_78 : i32 to index
      %parallel_loop3A_80 = tpu.vector_load %arg8[%parallel_loop3A_79] {strides = array<i32>} : memref<16384xf32, #tpu.memory_space<vmem>>, vector<16xf32>,
      %parallel_loop3A_81 = vector.shape_cast %parallel_loop3A_80 : vector<16xf32> to vector<16xf32>
      %parallel_loop3A_82 = arith.index_cast %parallel_loop3A_76 : i32 to index
      %parallel_loop3A_83 = tpu.vector_load %arg10[%parallel_loop3A_82] {strides = array<i32>} : memref<8192xi32, #tpu.memory_space<vmem>>, vector<16xi32>,
      %parallel_loop3A_84 = vector.shape_cast %parallel_loop3A_83 : vector<16xi32> to vector<16xi32>
      %parallel_loop3A_85 = arith.constant 0 : i32
      %parallel_loop3A_86 = arith.addi %parallel_loop3A_85, %parallel_loop3A_76 : i32
      %parallel_loop3A_87 = arith.index_cast %parallel_loop3A_86 : i32 to index
      %parallel_loop3A_88 = tpu.vector_load %arg9[%parallel_loop3A_87] {strides = array<i32>} : memref<16384xi32, #tpu.memory_space<vmem>>, vector<16xi32>,
      %parallel_loop3A_89 = vector.shape_cast %parallel_loop3A_88 : vector<16xi32> to vector<16xi32>
      %parallel_loop3A_90 = arith.sitofp %parallel_loop3A_89 : vector<16xi32> to vector<16xf32>
      %parallel_loop3A_91 = vector.broadcast %parallel_loop3A_63 : i32 to vector<16xi32>
      %parallel_loop3A_92 = arith.andi %parallel_loop3A_84, %parallel_loop3A_91 : vector<16xi32>
      %parallel_loop3A_93 = tpu.bitcast %parallel_loop3A_92 : vector<16xi32> -> vector<16xf32>
      %parallel_loop3A_94 = arith.constant 16 : i32
      %parallel_loop3A_95 = vector.broadcast %parallel_loop3A_94 : i32 to vector<16xi32>
      %parallel_loop3A_96 = arith.shli %parallel_loop3A_84, %parallel_loop3A_95 : vector<16xi32>
      %parallel_loop3A_97 = tpu.bitcast %parallel_loop3A_96 : vector<16xi32> -> vector<16xf32>
      %parallel_loop3A_98 = arith.constant 9.53675226E-7 : f32
      %parallel_loop3A_99 = vector.broadcast %parallel_loop3A_98 : f32 to vector<16xf32>
      %parallel_loop3A_100 = arith.mulf %parallel_loop3A_90, %parallel_loop3A_99 : vector<16xf32>
      %parallel_loop3A_101 = arith.subf %parallel_loop3A_81, %parallel_loop3A_100 : vector<16xf32>
      %parallel_loop3A_102 = arith.mulf %parallel_loop3A_97, %parallel_loop3A_101 : vector<16xf32>
      %parallel_loop3A_103 = arith.addf %parallel_loop3A_93, %parallel_loop3A_102 : vector<16xf32>
      %parallel_loop3A_104 = arith.constant 0 : i32
      %parallel_loop3A_105 = arith.addi %parallel_loop3A_104, %parallel_loop3A_76 : i32
      %parallel_loop3A_106 = arith.index_cast %parallel_loop3A_105 : i32 to index
      %parallel_loop3A_107 = tpu.vector_load %arg7[%parallel_loop3A_106] {strides = array<i32>} : memref<16384xf32, #tpu.memory_space<vmem>>, vector<16xf32>,
      %parallel_loop3A_108 = vector.shape_cast %parallel_loop3A_107 : vector<16xf32> to vector<16xf32>
      %parallel_loop3A_109 = arith.addf %parallel_loop3A_108, %parallel_loop3A_103 : vector<16xf32>
      %parallel_loop3A_110 = arith.constant 5.000000e-01 : f32
      %parallel_loop3A_111 = vector.broadcast %parallel_loop3A_110 : f32 to vector<16xf32>
      %parallel_loop3A_112 = arith.mulf %parallel_loop3A_109, %parallel_loop3A_111 : vector<16xf32>
      %parallel_loop3A_113 = arith.constant 0 : i32
      %parallel_loop3A_114 = arith.addi %parallel_loop3A_113, %parallel_loop3A_76 : i32
      %parallel_loop3A_115 = arith.index_cast %parallel_loop3A_114 : i32 to index
      %parallel_loop3A_116 = tpu.vector_load %arg7[%parallel_loop3A_115] {strides = array<i32>} : memref<16384xf32, #tpu.memory_space<vmem>>, vector<16xf32>,
      %parallel_loop3A_117 = vector.shape_cast %parallel_loop3A_116 : vector<16xf32> to vector<16xf32>
      %parallel_loop3A_118 = vector.shape_cast %parallel_loop3A_112 : vector<16xf32> to vector<16xf32>
      tpu.vector_store %arg7[%parallel_loop3A_115], %parallel_loop3A_118 {strides = array<i32>} : memref<16384xf32, #tpu.memory_space<vmem>>, vector<16xf32>,
    } {sc.loop_unroll_factor = 8 : i64, sc.parallel_access}
    "tpu.trace_stop"() : () -> ()
    %dma_start3A_64 = arith.constant 8192 : i32
    %dma_start3A_65 = tpu.memref_slice %arg9[%dma_start3A_64] : memref<16384xi32, #tpu.memory_space<vmem>> -> memref<8192xi32, #tpu.memory_space<vmem>>
    %dma_start3A_66 = arith.constant 0 : i32
    %dma_start3A_67 = tpu.memref_slice %arg6[%dma_start3A_66] : memref<1048576xi32, #tpu.memory_space<vmem_shared>> -> memref<1048576xi32, #tpu.memory_space<vmem_shared>>
    tpu.enqueue_indirect_dma source(%dma_start3A_67 : memref<1048576xi32, #tpu.memory_space<vmem_shared>>) target(%arg10 : memref<8192xi32, #tpu.memory_space<vmem>>) offsets(%dma_start3A_65 : memref<8192xi32, #tpu.memory_space<vmem>>) semaphore(%arg11 : memref<!tpu.dma_semaphore, #tpu.memory_space<semaphore_mem>>)
    "tpu.trace_start"() <{level = 10 : i32, message = "gather_wait"}> : () -> ()
    %dma_wait3A_68 = arith.constant 8192 : i32
    %dma_wait3A_69 = tpu.memref_slice %arg9[%dma_wait3A_68] : memref<16384xi32, #tpu.memory_space<vmem>> -> memref<8192xi32, #tpu.memory_space<vmem>>
    %dma_wait3A_70 = arith.constant 0 : i32
    %dma_wait3A_71 = tpu.memref_slice %arg6[%dma_wait3A_70] : memref<1048576xi32, #tpu.memory_space<vmem_shared>> -> memref<1048576xi32, #tpu.memory_space<vmem_shared>>
    tpu.wait_indirect_dma semaphore(%arg11 : memref<!tpu.dma_semaphore, #tpu.memory_space<semaphore_mem>>) src(%dma_wait3A_71 : memref<1048576xi32, #tpu.memory_space<vmem_shared>>) dst(%arg10 : memref<8192xi32, #tpu.memory_space<vmem>>)
    %parallel_loop3A_72 = arith.constant 0 : i32
    %parallel_loop3A_73 = arith.constant 8192 : i32
    %parallel_loop3A_74 = arith.constant 16 : i32
    %parallel_loop3A_75 = arith.constant -65536 : i32
    "tpu.trace_stop"() : () -> ()
    "tpu.trace_start"() <{level = 10 : i32, message = "interp_mean_phase"}> : () -> ()
    scf.for %parallel_loop3A_76 = %parallel_loop3A_72 to %parallel_loop3A_73 step %parallel_loop3A_74  : i32 {
      %parallel_loop3A_77 = arith.constant 8192 : i32
      %parallel_loop3A_78 = arith.addi %parallel_loop3A_77, %parallel_loop3A_76 : i32
      %parallel_loop3A_79 = arith.index_cast %parallel_loop3A_78 : i32 to index
      %parallel_loop3A_80 = tpu.vector_load %arg8[%parallel_loop3A_79] {strides = array<i32>} : memref<16384xf32, #tpu.memory_space<vmem>>, vector<16xf32>,
      %parallel_loop3A_81 = vector.shape_cast %parallel_loop3A_80 : vector<16xf32> to vector<16xf32>
      %parallel_loop3A_82 = arith.index_cast %parallel_loop3A_76 : i32 to index
      %parallel_loop3A_83 = tpu.vector_load %arg10[%parallel_loop3A_82] {strides = array<i32>} : memref<8192xi32, #tpu.memory_space<vmem>>, vector<16xi32>,
      %parallel_loop3A_84 = vector.shape_cast %parallel_loop3A_83 : vector<16xi32> to vector<16xi32>
      %parallel_loop3A_85 = arith.constant 8192 : i32
      %parallel_loop3A_86 = arith.addi %parallel_loop3A_85, %parallel_loop3A_76 : i32
      %parallel_loop3A_87 = arith.index_cast %parallel_loop3A_86 : i32 to index
      %parallel_loop3A_88 = tpu.vector_load %arg9[%parallel_loop3A_87] {strides = array<i32>} : memref<16384xi32, #tpu.memory_space<vmem>>, vector<16xi32>,
      %parallel_loop3A_89 = vector.shape_cast %parallel_loop3A_88 : vector<16xi32> to vector<16xi32>
      %parallel_loop3A_90 = arith.sitofp %parallel_loop3A_89 : vector<16xi32> to vector<16xf32>
      %parallel_loop3A_91 = vector.broadcast %parallel_loop3A_75 : i32 to vector<16xi32>
      %parallel_loop3A_92 = arith.andi %parallel_loop3A_84, %parallel_loop3A_91 : vector<16xi32>
      %parallel_loop3A_93 = tpu.bitcast %parallel_loop3A_92 : vector<16xi32> -> vector<16xf32>
      %parallel_loop3A_94 = arith.constant 16 : i32
      %parallel_loop3A_95 = vector.broadcast %parallel_loop3A_94 : i32 to vector<16xi32>
      %parallel_loop3A_96 = arith.shli %parallel_loop3A_84, %parallel_loop3A_95 : vector<16xi32>
      %parallel_loop3A_97 = tpu.bitcast %parallel_loop3A_96 : vector<16xi32> -> vector<16xf32>
      %parallel_loop3A_98 = arith.constant 9.53675226E-7 : f32
      %parallel_loop3A_99 = vector.broadcast %parallel_loop3A_98 : f32 to vector<16xf32>
      %parallel_loop3A_100 = arith.mulf %parallel_loop3A_90, %parallel_loop3A_99 : vector<16xf32>
      %parallel_loop3A_101 = arith.subf %parallel_loop3A_81, %parallel_loop3A_100 : vector<16xf32>
      %parallel_loop3A_102 = arith.mulf %parallel_loop3A_97, %parallel_loop3A_101 : vector<16xf32>
      %parallel_loop3A_103 = arith.addf %parallel_loop3A_93, %parallel_loop3A_102 : vector<16xf32>
      %parallel_loop3A_104 = arith.constant 8192 : i32
      %parallel_loop3A_105 = arith.addi %parallel_loop3A_104, %parallel_loop3A_76 : i32
      %parallel_loop3A_106 = arith.index_cast %parallel_loop3A_105 : i32 to index
      %parallel_loop3A_107 = tpu.vector_load %arg7[%parallel_loop3A_106] {strides = array<i32>} : memref<16384xf32, #tpu.memory_space<vmem>>, vector<16xf32>,
      %parallel_loop3A_108 = vector.shape_cast %parallel_loop3A_107 : vector<16xf32> to vector<16xf32>
      %parallel_loop3A_109 = arith.addf %parallel_loop3A_108, %parallel_loop3A_103 : vector<16xf32>
      %parallel_loop3A_110 = arith.constant 5.000000e-01 : f32
      %parallel_loop3A_111 = vector.broadcast %parallel_loop3A_110 : f32 to vector<16xf32>
      %parallel_loop3A_112 = arith.mulf %parallel_loop3A_109, %parallel_loop3A_111 : vector<16xf32>
      %parallel_loop3A_113 = arith.constant 8192 : i32
      %parallel_loop3A_114 = arith.addi %parallel_loop3A_113, %parallel_loop3A_76 : i32
      %parallel_loop3A_115 = arith.index_cast %parallel_loop3A_114 : i32 to index
      %parallel_loop3A_116 = tpu.vector_load %arg7[%parallel_loop3A_115] {strides = array<i32>} : memref<16384xf32, #tpu.memory_space<vmem>>, vector<16xf32>,
      %parallel_loop3A_117 = vector.shape_cast %parallel_loop3A_116 : vector<16xf32> to vector<16xf32>
      %parallel_loop3A_118 = vector.shape_cast %parallel_loop3A_112 : vector<16xf32> to vector<16xf32>
      tpu.vector_store %arg7[%parallel_loop3A_115], %parallel_loop3A_118 {strides = array<i32>} : memref<16384xf32, #tpu.memory_space<vmem>>, vector<16xf32>,
    } {sc.loop_unroll_factor = 8 : i64, sc.parallel_access}
    "tpu.trace_stop"() : () -> ()
    "tpu.trace_start"() <{level = 10 : i32, message = "store_out"}> : () -> ()
    "tpu.region"() ({
      %run_scoped3A = tpu.sem_alloc : memref<!tpu.dma_semaphore, #tpu.memory_space<semaphore_mem>>
      %dma_start3A_76 = tpu.memref_slice %arg5[%mul3A_2] : memref<524288xf32, #tpu.memory_space<hbm>> -> memref<16384xf32, #tpu.memory_space<hbm>>
      %dma_start3A_77 = tpu.memref_slice %arg5[%mul3A_2] : memref<524288xf32, #tpu.memory_space<hbm>> -> memref<16384xf32, #tpu.memory_space<hbm>>
      tpu.enqueue_dma source(%arg7 : memref<16384xf32, #tpu.memory_space<vmem>>) target(%dma_start3A_77 : memref<16384xf32, #tpu.memory_space<hbm>>) target_semaphore(%run_scoped3A : memref<!tpu.dma_semaphore, #tpu.memory_space<semaphore_mem>>)
      %dma_wait3A_78 = tpu.memref_slice %arg5[%mul3A_2] : memref<524288xf32, #tpu.memory_space<hbm>> -> memref<16384xf32, #tpu.memory_space<hbm>>
      %dma_wait3A_79 = tpu.memref_slice %arg5[%mul3A_2] : memref<524288xf32, #tpu.memory_space<hbm>> -> memref<16384xf32, #tpu.memory_space<hbm>>
      tpu.wait_dma2 semaphore(%run_scoped3A : memref<!tpu.dma_semaphore, #tpu.memory_space<semaphore_mem>>) src(%arg7 : memref<16384xf32, #tpu.memory_space<vmem>>) dst(%dma_wait3A_79 : memref<16384xf32, #tpu.memory_space<hbm>>)
      tpu.yield
    }) : () -> ()
    "tpu.trace_stop"() : () -> ()
    return
  }
}

</mosaic_0001>

<sc_bundles>
// kernel: _interp_sc.3.cloned.1.call-start
scs
__scs_entry_jumppad:
0x0: {  	(pc) =	sbr.rel $0x88, $3  }
0x1: {  	(tag) =	ssettag $0x0;
	lr =	simm.s32 $0x1  }
0x2: {  	[smem:$0x3F9E] =	sst lr;
	_ =	strace $0xD0000000  }
0x3: {  	_ = 	snop  }
0x4: {  	_ = 	snop  }
0x5: {  	_ = 	snop  }
0x6: {  	_ = 	snop  }
0x7: {  	_ = 	snop  }
__scs_overlays_trampoline_lowered:
0x8: {  	[smem:$0x3FAD] =	sst s0  }
0x9: {  	[smem:$0x3FAE] =	sst s1  }
0xa: {  	[smem:$0x3FAF] =	sst s2  }
0xb: {  	[smem:$0x3FB0] =	sst s3  }
0xc: {  	[smem:$0x3FB1] =	sst s4  }
0xd: {  	[smem:$0x3FB2] =	sst s5  }
0xe: {  	[smem:$0x3FB3] =	sst s6  }
0xf: {  	[smem:$0x3FB4] =	sst s7  }
0x10: {  	[smem:$0x3FB5] =	sst s8  }
0x11: {  	[smem:$0x3FB6] =	sst s9;
	s0 =	simm.s32 @!p0 $0x0  }
0x12: {  	s1 =	sld [smem:$0x3F9C];
	s0 =	simm.s32 @p0 $0x1  }
0x13: {  	[smem:$0x3FB7] =	sst s0;
	s0 =	simm.s32 @!p1 $0x0  }
0x14: {  	s2 =	sld [smem:$0x3F9B];
	s0 =	simm.s32 @p1 $0x1  }
0x15: {  	[smem:$0x3FB8] =	sst s0;
	s0 =	simm.s32 @!p2 $0x0  }
0x16: {  	s3 =	sld [smem:$0x3FDB];
	s0 =	simm.s32 @p2 $0x1  }
0x17: {  	s4 =	simm.s32 $0x1BF5;
	[smem:$0x3FBA] =	sst s0  }
0x18: {  	s0 =	sld [smem:$0x3F9D];
	_ =	swait.ge [sflag:s4], $0x0  }
0x19: {  	s7 =	sld [smem:$0x3F9E]  }
0x1a: {  	s8 =	sadd.s32 $0xFFFFE003, lr  }
0x1b: {  	s9 =	sadd.s32 $0xFFFFFEF7, lr;
	s5 =	simm.s32 $0xFFFFFFFF;
	p2 =	slt.u32 s8, $0xFFFFF086  }
0x1c: {  	p1 =	slt.u32 s9, $0xF7A;
	s5 =	simm.s32 @!p2 $0x0  }
0x1d: {  	s5 =	simm.s32 @p1 $0x1;
	p0 =	seq.s32 s7, s2  }
0x1e: {  	s7 =	smul.u32 @!p0 $0xF7A, s2;
	p2 =	seq.s32 @!p0 s5, $0x0  }
0x1f: {  	s9 =	smul.u32 $0xF7A, s1;
	s8 =	simm.s32 @!p0 $0x1BF5;
	p2 =	por !p2, p0  }
0x20: {  	[sflag:s8] =	ssyncset.s32 @!p0 $0xFFFFF086;
	s6 =	sadd.s32 @!p0 s3, s7;
	s7 =	simm.s32 @!p0 $0x108  }
0x21: {  	s3 =	sadd.s32 s3, s9;
	s6 =	sadd.s32 @!p0 $0x88, s6;
	s7 =	simm.s32 @p2 $0x1082  }
0x22: {  	[simem:s7], [sflag:s8] =	dma.local @!p0 [hbm:s6], $0xF7A  }
0x23: {  	s9 =	sor.u32 $0xD0000000, s2;
	s6 =	simm.s32 $0x108;
	_ =	swait.ge @!p0 [sflag:s8], $0x0  }
0x24: {  	s3 =	sadd.s32 $0x88, s3;
	s6 =	simm.s32 @!p1 $0x1082;
	[sflag:s4] =	ssyncset.s32 $0xFFFFF086  }
0x25: {  	[simem:s6], [sflag:s4] =	dma.local [hbm:s3], $0xF7A  }
0x26: {  	[smem:$0x3F9E] =	sst s1;
	(tag) =	ssettag s2;
	_ =	strace s9  }
0x27: {  	s1 =	sld [smem:$0x3FAE]  }
0x28: {  	s2 =	sld [smem:$0x3FAF]  }
0x29: {  	s4 =	sld [smem:$0x3FB1]  }
0x2a: {  	p0 =	seq.s32 s5, $0x0;
	s5 =	sld [smem:$0x3FB2]  }
0x2b: {  	s6 =	sld [smem:$0x3FB3]  }
0x2c: {  	s7 =	sld [smem:$0x3FB4]  }
0x2d: {  	s3 =	simm.s32 $0x108;
	s8 =	sld [smem:$0x3FB5]  }
0x2e: {  	s3 =	simm.s32 @!p0 $0x1082;
	s9 =	sld [smem:$0x3FB6]  }
0x2f: {  	lr =	sadd.s32 s0, s3;
	s0 =	sld [smem:$0x3FAD]  }
0x30: {  	s3 =	sld [smem:$0x3FB0]  }
0x31: {  	[smem:$0x3FB9] =	sst s10  }
0x32: {  	s10 =	sld [smem:$0x3FB7];
	_ =	sdelay $0x3  }
0x33: {  	p0 =	seq.s32 s10, $0x1;
	s10 =	sld [smem:$0x3FB9];
	_ =	sdelay $0x3  }
0x34: {  	[smem:$0x3FB9] =	sst s10  }
0x35: {  	s10 =	sld [smem:$0x3FB8];
	_ =	sdelay $0x3  }
0x36: {  	p1 =	seq.s32 s10, $0x1;
	s10 =	sld [smem:$0x3FB9];
	_ =	sdelay $0x3  }
0x37: {  	[smem:$0x3FB9] =	sst s10  }
0x38: {  	s10 =	sld [smem:$0x3FBA]  }
0x39: {  	_ = 	snop;
	(pc) =	sbr.ind lr, $3  }
0x3a: {  	_ = 	snop  }
0x3b: {  	_ = 	snop  }
0x3c: {  	p2 =	seq.s32 s10, $0x1;
	s10 =	sld [smem:$0x3FB9]  }
0x3d: {  	_ =	shalt  }
0x3e: {  	_ =	shalt  }
0x3f: {  	_ =	shalt  }
0x40: {  	_ =	shalt  }
0x41: {  	_ =	shalt  }
0x42: {  	_ =	shalt  }
0x43: {  	_ =	shalt  }
0x44: {  	_ =	shalt  }
0x45: {  	_ =	shalt  }
0x46: {  	_ =	shalt  }
0x47: {  	_ =	shalt  }
0x48: {  	_ =	shalt  }
0x49: {  	_ =	shalt  }
0x4a: {  	_ =	shalt  }
0x4b: {  	_ =	shalt  }
0x4c: {  	_ =	shalt  }
0x4d: {  	_ =	shalt  }
0x4e: {  	_ =	shalt  }
0x4f: {  	_ =	shalt  }
0x50: {  	_ =	shalt  }
0x51: {  	_ =	shalt  }
0x52: {  	_ =	shalt  }
0x53: {  	_ =	shalt  }
0x54: {  	_ =	shalt  }
0x55: {  	_ =	shalt  }
0x56: {  	_ =	shalt  }
0x57: {  	_ =	shalt  }
0x58: {  	_ =	shalt  }
0x59: {  	_ =	shalt  }
0x5a: {  	_ =	shalt  }
0x5b: {  	_ =	shalt  }
0x5c: {  	_ =	shalt  }
0x5d: {  	_ =	shalt  }
0x5e: {  	_ =	shalt  }
0x5f: {  	_ =	shalt  }
0x60: {  	_ =	shalt  }
0x61: {  	_ =	shalt  }
0x62: {  	_ =	shalt  }
0x63: {  	_ =	shalt  }
0x64: {  	_ =	shalt  }
0x65: {  	_ =	shalt  }
0x66: {  	_ =	shalt  }
0x67: {  	_ =	shalt  }
0x68: {  	_ =	shalt  }
0x69: {  	_ =	shalt  }
0x6a: {  	_ =	shalt  }
0x6b: {  	_ =	shalt  }
0x6c: {  	_ =	shalt  }
0x6d: {  	_ =	shalt  }
0x6e: {  	_ =	shalt  }
0x6f: {  	_ =	shalt  }
0x70: {  	_ =	shalt  }
0x71: {  	_ =	shalt  }
0x72: {  	_ =	shalt  }
0x73: {  	_ =	shalt  }
0x74: {  	_ =	shalt  }
0x75: {  	_ =	shalt  }
0x76: {  	_ =	shalt  }
0x77: {  	_ =	shalt  }
0x78: {  	_ =	shalt  }
0x79: {  	_ =	shalt  }
0x7a: {  	_ =	shalt  }
0x7b: {  	_ =	shalt  }
0x7c: {  	_ =	shalt  }
0x7d: {  	_ =	shalt  }
0x7e: {  	_ =	shalt  }
0x7f: {  	_ =	shalt  }
0x80: {  	_ =	shalt  }
0x81: {  	_ =	shalt  }
0x82: {  	_ =	shalt  }
0x83: {  	_ =	shalt  }
0x84: {  	_ =	shalt  }
0x85: {  	_ =	shalt  }
0x86: {  	_ =	shalt  }
0x87: {  	_ =	shalt  }
.Lfunc_end0:
.L_simem_size_0:
called_computation_lowered:
.L_overlay_start_0:
0x88: {  	s2 =	sld [smem:$0x3FD9]  }
0x89: {  	s3 =	sld [smem:$0x3FFE];
	_ =	sdelay $0x1  }
0x8a: {  	s1 =	srdreg.scid  }
0x8b: {  	s0 =	sand.u32 $0x1, s1  }
0x8c: {  	s18 =	sshll.u32 s0, $0xA;
	s2 =	sadd.s32 s3, s2  }
0x8d: {  	s2 =	sadd.s32 s2, s18  }
0x8e: {  	[smem:$0x3FC5] =	sst s2  }
0x8f: {  	_ = 	snop  }
0x90: {  	s2 =	sld [smem:$0x3FC9]  }
0x91: {  	s19 =	sld [smem:$0x3FC8]  }
0x92: {  	s4 =	sld [smem:$0x3FC7]  }
0x93: {  	s5 =	sld [smem:$0x3FD0];
	(tm) =	ssettm $0x1  }
0x94: {  	s6 =	sld [smem:$0x3FFB];
	_ =	sdelay $0x3  }
0x95: {  	_ =	strace s6  }
0x96: {  	s6 =	sld [smem:$0x3FFC];
	_ =	sdelay $0x3  }
0x97: {  	_ =	strace s6  }
0x98: {  	s6 =	sld [smem:$0x3FFD];
	_ =	sdelay $0x3  }
0x99: {  	_ =	strace s6  }
0x9a: {  	_ =	strace $0x8FFFFFFF  }
0x9b: {  	s20 =	sld [smem:$0x3FDB];
	_ =	sdelay $0x1  }
0x9c: {  	s7 =	simm.s32 $_scs_section_size  }
0x9d: {  	s8 =	simm.s32 $_size__tile_overlayer_lowered;
	s9 =	simm.s32 $_tile_overlayer_lowered  }
0x9e: {  	s23 =	simm.s32 $0x1BFF;
	s22 =	sshll.u32 s9, $0x1;
	s6 =	sadd.s32 s7, s20  }
0x9f: {  	s10 =	simm.s32 $0x0;
	s21 =	sshll.u32 s8, $0x1;
	s8 =	sadd.s32 s22, s6  }
0xa0: {  	[timem:s10], [sflag:s23] =	dma.local [hbm:s8], s21  }
0xa1: {  	_ =	swait.ge [sflag:s23], s21  }
0xa2: {  	s7 =	ssub.s32 $0x0, s21;
	[sflag:s23] =	ssyncset.done $0x0  }
0xa3: {  	[sflag:s23] =	ssyncadd.s32 s7;
	_ =	sdelay $0x1  }
0xa4: {  	s24 =	simm.s32 $0x1B8B  }
0xa5: {  	_ =	swait.ge [sflag:s24], $0x1  }
0xa6: {  	[sflag:s24] =	ssyncset.done $0x0  }
0xa7: {  	s25 =	simm.s32 $0x1B8E;
	[sflag:s24] =	ssyncadd.s32 $0xFFFFFFFF  }
0xa8: {  	s26 =	simm.s32 $execute0_lowered;
	[smem:$0x3FD2] =	sst s25  }
0xa9: {  	s7 =	sshll.u32 s26, $0x1;
	_ =	strace $0x80000046;
	[dreg:$0x1] =	wrdreg $0xFFFFFFFF  }
0xaa: {  	s28 =	simm.s32 $_size_execute0_lowered;
	s6 =	sadd.s32 s6, s7;
	[dreg:$0x0] =	wrdreg $0x0  }
0xab: {  	s7 =	sshll.u32 s28, $0x1;
	[dreg:$0x2] =	wrdreg s6  }
0xac: {  	[dreg:$0x3] =	wrdreg s7  }
0xad: {  	[dreg:$0x4] =	wrdreg $0xC0  }
0xae: {  	_ =	task [dreg:s10], $0x5FFFF  }
0xaf: {  	[dreg:$0x1] =	wrdreg $0xFFFFFFFF  }
0xb0: {  	[dreg:$0x0] =	wrdreg $0x60  }
0xb1: {  	[dreg:$0x2] =	wrdreg s2  }
0xb2: {  	[dreg:$0x3] =	wrdreg s19  }
0xb3: {  	[dreg:$0x4] =	wrdreg s4  }
0xb4: {  	[dreg:$0x5] =	wrdreg s5  }
0xb5: {  	[dreg:$0x6] =	wrdreg $0x0  }
0xb6: {  	[dreg:$0x7] =	wrdreg $0x9  }
0xb7: {  	_ =	task.clear_ibuf [dreg:s10], $0x8FFFF;
	_ =	strace $0x90000046  }
0xb8: {  	s29 =	simm.s32 $0x9;
	_ =	strace $0x8000005A  }
0xb9: {  	_ =	swait.ge [sflag:s29], $0x1  }
0xba: {  	[sflag:s29] =	ssyncadd.s32 $0xFFFFFFFF  }
0xbb: {  	_ =	strace $0x9000005A  }
0xbc: {  	_ =	sfence  }
0xbd: {  	s30 =	sld [smem:$0x0];
	_ =	sdelay $0x2  }
0xbe: {  	s31 =	sshll.u32 s1, $0xD;
	s1 =	sshrl.u32 s1, $0x2  }
0xbf: {  	s3 =	sand.u32 $0x4000, s31;
	s1 =	sadd.s32 s1, s30  }
0xc0: {  	s0 =	sor.u32 s3, s0;
	s1 =	sshll.u32 s1, $0x11  }
0xc1: {  	s0 =	sor.u32 s1, s0  }
0xc2: {  	s0 =	sadd.s32 $0x8F2B, s0  }
0xc3: {  	[sflag:s0] =	ssyncadd.remote.s32 $0x1  }
0xc4: {  	_ =	sfence.sel $0xFFFF  }
0xc5: {  	[dreg:$0x0] =	wrdreg $0xFFFFFFFF;
	(pc) =	sbr.abs _section_cstart, $3  }
0xc6: {  	[dreg:$0x1] =	wrdreg $0xFFFFFFFF  }
0xc7: {  	_ =	task.clear_ibuf [dreg:s10], $0x2FFFF;
	_ =	strace $0x9FFFFFFF  }
0xc8: {  	(tm) =	ssettm $0x7FFFFFFF  }
0xc9: {  	_ =	shalt  }
tec
execute0_lowered:
.L_overlay_start_1:
0x0: {  	(tag) =	ssettag $0x1  }
0x1: {  	s4 =	rddreg [dreg:$0x0]  }
0x2: {  	s7 =	rddreg [dreg:$0x1]  }
0x3: {  	s9 =	rddreg [dreg:$0x2]  }
0x4: {  	s10 =	rddreg [dreg:$0x3]  }
0x5: {  	s1 =	rddreg [dreg:$0x4]  }
0x6: {  	s0 =	rddreg [dreg:$0x5];
	s2 =	simm.s32 $0x0  }
0x7: {  	s3 =	srdreg.scid;
	s15 =	simm.s32 $0x2;
	s16 =	simm.s32 $0x2000  }
0x8: {  	s17 =	simm.s32 $0x18000;
	s18 =	simm.s32 $0x1C000;
	s19 =	simm.s32 $0x16000  }
0x9: {  	s20 =	simm.s32 $0x1;
	s21 =	simm.s32 $0x1A000;
	s22 =	simm.s32 $0x10000  }
0xa: {  	s23 =	simm.s32 $0x0;
	[smem:$0x7FF] =	sst s2;
	s5 =	sand.u32 $0x1, s3  }
0xb: {  	s3 =	stileid.u32;
	_ =	strace $0x80000047;
	s6 =	ssub.s32 $0x2, s5  }
0xc: {  	s11 =	sshll.u32 s3, $0xC;
	s5 =	sshll.u32 s5, $0xB;
	s29 =	sshll.u32 s3, $0x10  }
0xd: {  	s30 =	sshll.u32 s3, $0xD;
	s31 =	sshll.u32 s3, $0x6;
	s8 =	sshrl.u32 s6, $0x1  }
0xe: {  	s11 =	sor.u32 s5, s11;
	s13 =	sadd.s32 s29, s1;
	s4 =	sadd.s32 s4, s30  }
0xf: {  	s5 =	sor.u32 $0x1C02, s31;
	s12 =	ssub.s32 s6, s8;
	s14 =	sor.u32 $0x400, s11  }
0x10: {  	s6 =	sadd.s32 s7, s11;
	s8 =	sadd.s32 s9, s11;
	s10 =	sadd.s32 s10, s11  }
0x11: {  	s7 =	sadd.s32 s7, s14;
	s9 =	sadd.s32 s9, s14;
	s11 =	smax.u32 s12, $0x1  }
0x12: {  	v0 =	vimm.f32 $0.0e+00;
	s12 =	sshrl.u32 s13, $0x3;
	s13 =	simm.s32 $0x14000;
	s14 =	simm.s32 $0x3  }
.LBB2_1:
0x13: {  	[spmem:s12], [sflag:s5] =	dma.local [hbm:s4], $0x2000  }
0x14: {  	_ =	strace $0x80000048  }
0x15: {  	[tilespmem:s13], [sflag:$0x3] =	stream.linear.gather [hbm4b:s6+s2], $0x2000, $0x200038;
	[tilespmem:$0x1E000] =	vst v63  }
0x16: {  	_ =	swait.ge [sflag:s14], $0x2000  }
0x17: {  	[sflag:s14] =	ssyncset.done $0x0  }
0x18: {  	[sflag:s14] =	ssyncadd.s32 $0xFFFFE000  }
0x19: {  	_ =	strace $0x90000048  }
0x1a: {  	s24 =	simm.s32 $0x14040;
	_ =	strace $0x80000049  }
0x1b: {  	v1 =	vld [tilespmem:s24+$0x30]  }
0x1c: {  	v2 =	vld [tilespmem:s24+$0xFFFFFFC0]  }
0x1d: {  	v3 =	vld [tilespmem:s24+$0x20]  }
0x1e: {  	v4 =	vld [tilespmem:s24+$0xFFFFFFD0]  }
0x1f: {  	v7 =	vld [tilespmem:s24+$0xFFFFFFE0]  }
0x20: {  	v8 =	vld [tilespmem:s24+$0xFFFFFFF0];
	_ =	sdelay $0x1  }
0x21: {  	v5 =	vmul.f32 $1.048575000e+06, v1  }
0x22: {  	v6 =	vmul.f32 $1.048575000e+06, v3;
	v9 =	vmul.f32 $1.048575000e+06, v2  }
0x23: {  	v11 =	vmul.f32 $1.048575000e+06, v4;
	v12 =	vmul.f32 $1.048575000e+06, v7  }
0x24: {  	v16 =	vmul.f32 $1.048575000e+06, v8;
	v5 =	vtrunc.f32 v5  }
0x25: {  	v10 =	vld [tilespmem:s24+$0x10];
	v6 =	vtrunc.f32 v6;
	v5 =	vcvt.f32.s32 v5  }
0x26: {  	v9 =	vtrunc.f32 v9;
	v6 =	vcvt.f32.s32 v6  }
0x27: {  	v11 =	vtrunc.f32 v11;
	v5 =	vcvt.s32.f32 v5  }
0x28: {  	v11 =	vcvt.f32.s32 v11;
	v6 =	vcvt.s32.f32 v6  }
0x29: {  	v15 =	vld [tilespmem:s24+$0x0];
	v9 =	vcvt.f32.s32 v9;
	v13 =	vmul.f32 $9.536752260e-07, v5;
	v14 =	vadd.f32 $1.000000000e+00, v5  }
0x2a: {  	v17 =	vmul.f32 $1.048575000e+06, v10;
	v11 =	vcvt.s32.f32 v11;
	v19 =	vadd.f32 $1.000000000e+00, v6  }
0x2b: {  	v9 =	vcvt.s32.f32 v9;
	vm0 =	vlt.f32 v13, v1;
	v13 =	vmul.f32 $9.536752260e-07, v14  }
0x2c: {  	v34 =	vadd.f32 $1.000000000e+00, v11;
	v14 =	vmul.f32 $9.536752260e-07, v6;
	v19 =	vmul.f32 $9.536752260e-07, v19  }
0x2d: {  	v18 =	vsel vm0, $0x3F800000, v0;
	vm0 =	vlt.f32 v13, v1;
	v1 =	vtrunc.f32 v12  }
0x2e: {  	vm1 =	vlt.f32 v14, v3;
	v5 =	vadd.f32 v5, v18;
	v13 =	vmul.f32 $1.048575000e+06, v15  }
0x2f: {  	v14 =	vadd.f32 $1.000000000e+00, v9;
	v12 =	vsel vm0, $0x3F800000, v0;
	v1 =	vcvt.f32.s32 v1  }
0x30: {  	v33 =	vsel vm1, $0x3F800000, v0;
	vm0 =	vlt.f32 v19, v3;
	v13 =	vtrunc.f32 v13  }
0x31: {  	v5 =	vadd.f32 v12, v5;
	v12 =	vmul.f32 $9.536752260e-07, v14;
	v14 =	vtrunc.f32 v16  }
0x32: {  	v6 =	vadd.f32 v6, v33;
	v1 =	vcvt.s32.f32 v1;
	v13 =	vcvt.f32.s32 v13  }
0x33: {  	v16 =	vsel vm0, $0x3F800000, v0;
	v14 =	vcvt.f32.s32 v14;
	v3 =	vtrunc.f32 v5  }
0x34: {  	v5 =	vmul.f32 $9.536752260e-07, v11;
	v6 =	vadd.f32 v16, v6;
	vm1 =	vlt.f32 v12, v2  }
0x35: {  	v35 =	vcvt.f32.s32 v3;
	v3 =	vadd.f32 $1.000000000e+00, v1;
	v16 =	vmul.f32 $9.536752260e-07, v1  }
0x36: {  	v13 =	vcvt.s32.f32 v13;
	v23 =	vsel vm1, $0x3F800000, v0;
	vm0 =	vlt.f32 v5, v4  }
0x37: {  	v5 =	vtrunc.f32 v17;
	v17 =	vmul.f32 $9.536752260e-07, v34;
	v12 =	vsel vm0, $0x3F800000, v0  }
0x38: {  	v5 =	vcvt.f32.s32 v5;
	v3 =	vmul.f32 $9.536752260e-07, v3;
	vm2 =	vlt.f32 v16, v7  }
0x39: {  	s31 =	simm.s32 $0x140C0;
	v27 =	vmul.f32 $9.536752260e-07, v13;
	v11 =	vadd.f32 v11, v12;
	vm0 =	vlt.f32 v17, v4  }
0x3a: {  	v16 =	vld [tilespmem:s31+$0xFFFFFFD0];
	v4 =	vmul.f32 $9.536752260e-07, v9;
	v36 =	vsel vm2, $0x3F800000, v0;
	v12 =	vsel vm0, $0x3F800000, v0  }
0x3b: {  	v18 =	vadd.f32 v1, v36;
	v11 =	vadd.f32 v12, v11;
	v12 =	vtrunc.f32 v6  }
0x3c: {  	vm0 =	vlt.f32 v4, v2;
	v4 =	vcvt.s32.f32 v5;
	v5 =	vcvt.s32.f32 v14  }
0x3d: {  	v1 =	vld [tilespmem:s31+$0xFFFFFFE0];
	v12 =	vcvt.f32.s32 v12;
	v52 =	vsel vm0, $0x3F800000, v0;
	v2 =	vtrunc.f32 v11  }
0x3e: {  	v6 =	vld [tilespmem:s31+$0xFFFFFFC0];
	v11 =	vadd.f32 $1.000000000e+00, v13;
	v20 =	vmul.f32 $9.536752260e-07, v5;
	v21 =	vadd.f32 $1.000000000e+00, v5  }
0x3f: {  	v14 =	vld [tilespmem:s31+$0x30];
	v24 =	vadd.f32 $1.000000000e+00, v4;
	v39 =	vmul.f32 $1.048575000e+06, v16;
	v17 =	vcvt.f32.s32 v2  }
0x40: {  	v22 =	vld [tilespmem:s31+$0x20];
	v9 =	vadd.f32 v9, v52;
	v2 =	vmul.f32 $9.536752260e-07, v4;
	v37 =	vmul.f32 $9.536752260e-07, v21  }
0x41: {  	vm1 =	vlt.f32 v20, v8;
	v11 =	vmul.f32 $9.536752260e-07, v11;
	v40 =	vmul.f32 $9.536752260e-07, v24  }
0x42: {  	v41 =	vmul.f32 $1.048575000e+06, v1;
	v48 =	vtrunc.f32 v39;
	v23 =	vadd.f32 v23, v9  }
0x43: {  	v38 =	vmul.f32 $1.048575000e+06, v6;
	v25 =	vsel vm1, $0x3F800000, v0;
	vm1 =	vlt.f32 v2, v10  }
0x44: {  	v26 =	vmul.f32 $1.048575000e+06, v14;
	v28 =	vsel vm1, $0x3F800000, v0;
	vm1 =	vlt.f32 v3, v7  }
0x45: {  	v7 =	vmul.f32 $1.048575000e+06, v22;
	vm2 =	vlt.f32 v37, v8;
	v5 =	vadd.f32 v5, v25  }
0x46: {  	v60 =	vtrunc.f32 v23;
	v4 =	vadd.f32 v4, v28;
	v8 =	vtrunc.f32 v38  }
0x47: {  	v2 =	vld [tilespmem:s31+$0xFFFFFFF0];
	v20 =	vsel vm2, $0x3F800000, v0;
	v3 =	vtrunc.f32 v26;
	vm2 =	vlt.f32 v11, v15  }
0x48: {  	v11 =	vsel vm1, $0x3F800000, v0;
	vm1 =	vlt.f32 v27, v15;
	v27 =	vcvt.f32.s32 v48  }
0x49: {  	v3 =	vcvt.f32.s32 v3;
	v11 =	vadd.f32 v11, v18;
	v7 =	vtrunc.f32 v7  }
0x4a: {  	v20 =	vadd.f32 v20, v5;
	v5 =	vcvt.f32.s32 v8;
	v8 =	vtrunc.f32 v41  }
0x4b: {  	v44 =	vsel vm2, $0x3F800000, v0;
	v7 =	vcvt.f32.s32 v7;
	v8 =	vcvt.f32.s32 v8  }
0x4c: {  	vm2 =	vlt.f32 v40, v10;
	v27 =	vcvt.s32.f32 v27;
	v42 =	vmul.f32 $1.048575000e+06, v2  }
0x4d: {  	v45 =	vsel vm1, $0x3F800000, v0;
	v43 =	vcvt.s32.f32 v3;
	v11 =	vtrunc.f32 v11  }
0x4e: {  	v13 =	vadd.f32 v13, v45;
	v5 =	vcvt.s32.f32 v5;
	v20 =	vtrunc.f32 v20  }
0x4f: {  	v46 =	vsel vm2, $0x3F800000, v0;
	v7 =	vcvt.s32.f32 v7;
	v11 =	vcvt.f32.s32 v11  }
0x50: {  	v20 =	vcvt.f32.s32 v20;
	v9 =	vcvt.s32.f32 v8;
	v13 =	vadd.f32 v44, v13  }
0x51: {  	v3 =	vld [tilespmem:s31+$0x10];
	v57 =	vmul.f32 $9.536752260e-07, v27;
	v58 =	vadd.f32 $1.000000000e+00, v27;
	v15 =	vadd.f32 $1.000000000e+00, v43  }
0x52: {  	v10 =	vmul.f32 $9.536752260e-07, v43;
	v54 =	vadd.f32 $1.000000000e+00, v5;
	v8 =	vtrunc.f32 v42  }
0x53: {  	s25 =	simm.s32 $0x18040;
	v63 =	vmul.f32 $9.536752260e-07, v5;
	v47 =	vmul.f32 $9.536752260e-07, v7;
	v49 =	vadd.f32 $1.000000000e+00, v7  }
0x54: {  	[tilespmem:s25+$0x20] =	vst v12;
	v59 =	vadd.f32 $1.000000000e+00, v9;
	v12 =	vmul.f32 $9.536752260e-07, v58;
	v15 =	vmul.f32 $9.536752260e-07, v15  }
0x55: {  	vm1 =	vlt.f32 v10, v14;
	v10 =	vadd.f32 v46, v4;
	v26 =	vmul.f32 $9.536752260e-07, v54  }
0x56: {  	v4 =	vld [tilespmem:s31+$0x0];
	v55 =	vmul.f32 $9.536752260e-07, v49;
	vm2 =	vlt.f32 v15, v14;
	v14 =	vmul.f32 $1.048575000e+06, v3  }
0x57: {  	v15 =	vsel vm1, $0x3F800000, v0;
	vm1 =	vlt.f32 v47, v22;
	v56 =	vtrunc.f32 v10  }
0x58: {  	v10 =	vcvt.f32.s32 v8;
	v15 =	vadd.f32 v43, v15;
	v50 =	vsel vm2, $0x3F800000, v0  }
0x59: {  	v53 =	vsel vm1, $0x3F800000, v0;
	vm0 =	vlt.f32 v55, v22;
	vm1 =	vlt.f32 v26, v6  }
0x5a: {  	v7 =	vadd.f32 v7, v53;
	v22 =	vsel vm0, $0x3F800000, v0;
	vm0 =	vlt.f32 v57, v16  }
0x5b: {  	v14 =	vtrunc.f32 v14;
	v51 =	vmul.f32 $1.048575000e+06, v4;
	v15 =	vadd.f32 v50, v15  }
0x5c: {  	[tilespmem:s25+$0xFFFFFFE0] =	vst v11;
	v11 =	vsel vm0, $0x3F800000, v0;
	v61 =	vcvt.f32.s32 v14;
	v14 =	vmul.f32 $9.536752260e-07, v9  }
0x5d: {  	[tilespmem:s25+$0xFFFFFFD0] =	vst v17;
	v17 =	vadd.f32 v22, v7;
	v7 =	vtrunc.f32 v13;
	v15 =	vtrunc.f32 v15  }
0x5e: {  	[tilespmem:s25+$0x30] =	vst v35;
	vm0 =	vlt.f32 v12, v16;
	v21 =	vtrunc.f32 v51;
	v8 =	vcvt.f32.s32 v15  }
0x5f: {  	s24 =	simm.s32 $0x180C0;
	[tilespmem:s25+$0xFFFFFFF0] =	vst v20;
	v13 =	vcvt.f32.s32 v56;
	v11 =	vadd.f32 v27, v11;
	v21 =	vcvt.f32.s32 v21  }
0x60: {  	v12 =	vmul.f32 $9.536752260e-07, v59;
	v62 =	vcvt.f32.s32 v7;
	[tilespmem:s24+$0x30] =	vst v8;
	v8 =	vsel vm0, $0x3F800000, v0  }
0x61: {  	[tilespmem:s25+$0x10] =	vst v13;
	v7 =	vcvt.s32.f32 v21;
	v15 =	vadd.f32 v8, v11;
	v8 =	vcvt.f32.s32 v60  }
0x62: {  	s26 =	simm.s32 $0x80;
	s28 =	simm.s32 $0x14140;
	v13 =	vtrunc.f32 v17;
	[tilespmem:s25+$0x0] =	vst v62;
	vm0 =	vlt.f32 v63, v6;
	v11 =	vcvt.s32.f32 v61  }
.LBB2_2:
0x63: {  	v6 =	vld [tilespmem:s28+$0xFFFFFFC0];
	s26 =	sadd.s32 $0x80, s26;
	v15 =	vtrunc.f32 v15;
	v10 =	vcvt.s32.f32 v10;
	v16 =	vadd.f32 $1.000000000e+00, v7;
	[tilespmem:s25+$0xFFFFFFC0] =	vst v8;
	s25 =	smov.u32 s24;
	s24 =	sadd.s32 $0x80, s24  }
0x64: {  	vm2 =	vlt.f32 v14, v1;
	v17 =	vld [tilespmem:s28+$0x30];
	p0 =	slt.u32 s26, $0x1F80;
	v15 =	vcvt.f32.s32 v15;
	v14 =	vmul.f32 $9.536752260e-07, v11  }
0x65: {  	v18 =	vsel vm2, $0x3F800000, v0;
	v8 =	vld [tilespmem:s28+$0xFFFFFFD0];
	v19 =	vmul.f32 $9.536752260e-07, v10;
	v20 =	vadd.f32 $1.000000000e+00, v10  }
0x66: {  	v22 =	vsel vm1, $0x3F800000, v0;
	v13 =	vcvt.f32.s32 v13;
	v21 =	vld [tilespmem:s28+$0x20];
	[tilespmem:s25+$0xFFFFFFD0] =	vst v15;
	v15 =	vadd.f32 $1.000000000e+00, v11  }
0x67: {  	v9 =	vadd.f32 v9, v18;
	v23 =	vld [tilespmem:s28+$0xFFFFFFE0];
	vm1 =	vlt.f32 v19, v2;
	v18 =	vmul.f32 $9.536752260e-07, v20  }
0x68: {  	v19 =	vmul.f32 $1.048575000e+06, v6;
	v20 =	vld [tilespmem:s28+$0xFFFFFFF0];
	v24 =	vsel vm1, $0x3F800000, v0;
	vm1 =	vlt.f32 v14, v3  }
0x69: {  	v26 =	vmul.f32 $9.536752260e-07, v7;
	v14 =	vld [tilespmem:s28+$0x10];
	v25 =	vmul.f32 $1.048575000e+06, v17;
	v27 =	vsel vm1, $0x3F800000, v0;
	[tilespmem:s25+$0x20] =	vst v13  }
0x6a: {  	v16 =	vmul.f32 $9.536752260e-07, v16;
	v13 =	vmul.f32 $1.048575000e+06, v8;
	v28 =	vld [tilespmem:s28+$0x0];
	v11 =	vadd.f32 v11, v27  }
0x6b: {  	vm1 =	vlt.f32 v12, v1;
	vm2 =	vlt.f32 v18, v2;
	v27 =	vmul.f32 $1.048575000e+06, v21  }
0x6c: {  	v12 =	vtrunc.f32 v19;
	v18 =	vsel vm2, $0x3F800000, v0;
	vm2 =	vlt.f32 v16, v4;
	v1 =	vmovc v23  }
0x6d: {  	v15 =	vmul.f32 $9.536752260e-07, v15;
	v19 =	vsel vm1, $0x3F800000, v0;
	v16 =	vtrunc.f32 v25;
	v2 =	vmovc v20  }
0x6e: {  	v9 =	vadd.f32 v19, v9;
	v16 =	vcvt.f32.s32 v16;
	v20 =	vmul.f32 $1.048575000e+06, v1  }
0x6f: {  	v25 =	vsel vm2, $0x3F800000, v0;
	v23 =	vtrunc.f32 v27;
	v19 =	vmul.f32 $1.048575000e+06, v2  }
0x70: {  	v10 =	vadd.f32 v10, v24;
	v9 =	vtrunc.f32 v9;
	v16 =	vcvt.s32.f32 v16  }
0x71: {  	vm1 =	vlt.f32 v26, v4;
	vm2 =	vlt.f32 v15, v3;
	v23 =	vcvt.f32.s32 v23;
	v3 =	vmovc v14;
	v4 =	vmovc v28  }
0x72: {  	v24 =	vsel vm1, $0x3F800000, v0;
	v14 =	vmul.f32 $9.536752260e-07, v16;
	v15 =	vadd.f32 $1.000000000e+00, v16  }
0x73: {  	v26 =	vsel vm2, $0x3F800000, v0;
	v9 =	vcvt.f32.s32 v9;
	v23 =	vcvt.s32.f32 v23  }
0x74: {  	v27 =	vmul.f32 $1.048575000e+06, v3;
	vm1 =	vlt.f32 v14, v17;
	v14 =	vmul.f32 $9.536752260e-07, v15  }
0x75: {  	v15 =	vmul.f32 $9.536752260e-07, v23;
	v28 =	vsel vm1, $0x3F800000, v0;
	[tilespmem:s25+$0xFFFFFFE0] =	vst v9;
	v9 =	vadd.f32 v26, v11  }
0x76: {  	vm1 =	vlt.f32 v14, v17;
	v11 =	vtrunc.f32 v13;
	v13 =	vadd.f32 $1.000000000e+00, v23  }
0x77: {  	v12 =	vcvt.f32.s32 v12;
	v14 =	vtrunc.f32 v20;
	vm2 =	vlt.f32 v15, v21  }
0x78: {  	v10 =	vadd.f32 v18, v10;
	v15 =	vadd.f32 v16, v28;
	v16 =	vsel vm1, $0x3F800000, v0  }
0x79: {  	v12 =	vcvt.s32.f32 v12;
	v14 =	vcvt.f32.s32 v14;
	v17 =	vsel vm2, $0x3F800000, v0  }
0x7a: {  	v7 =	vadd.f32 v7, v24;
	v18 =	vmul.f32 $1.048575000e+06, v4;
	v20 =	vsel vm0, $0x3F800000, v0  }
0x7b: {  	v11 =	vcvt.f32.s32 v11;
	v15 =	vadd.f32 v16, v15;
	v16 =	vadd.f32 v5, v20;
	v5 =	vmovc v12  }
0x7c: {  	v10 =	vtrunc.f32 v10;
	v18 =	vtrunc.f32 v18;
	v12 =	vadd.f32 $1.000000000e+00, v5  }
0x7d: {  	v10 =	vcvt.f32.s32 v10;
	v17 =	vadd.f32 v23, v17;
	v13 =	vmul.f32 $9.536752260e-07, v13  }
0x7e: {  	v20 =	vtrunc.f32 v9;
	v11 =	vcvt.s32.f32 v11;
	v16 =	vadd.f32 v22, v16  }
0x7f: {  	v9 =	vcvt.s32.f32 v14;
	v12 =	vmul.f32 $9.536752260e-07, v12;
	vm0 =	vlt.f32 v13, v21;
	[tilespmem:s25+$0xFFFFFFF0] =	vst v10  }
0x80: {  	v7 =	vadd.f32 v25, v7;
	v13 =	vtrunc.f32 v15;
	v10 =	vtrunc.f32 v19  }
0x81: {  	v15 =	vcvt.f32.s32 v18;
	v14 =	vmul.f32 $9.536752260e-07, v11;
	v18 =	vsel vm0, $0x3F800000, v0  }
0x82: {  	v13 =	vcvt.f32.s32 v13;
	v19 =	vadd.f32 $1.000000000e+00, v11;
	v10 =	vcvt.f32.s32 v10  }
0x83: {  	v21 =	vadd.f32 $1.000000000e+00, v9;
	v16 =	vtrunc.f32 v16;
	vm0 =	vlt.f32 v14, v8  }
0x84: {  	v7 =	vtrunc.f32 v7;
	v17 =	vadd.f32 v18, v17;
	v14 =	vtrunc.f32 v27;
	[tilespmem:s24+$0x30] =	vst v13  }
0x85: {  	vm1 =	vlt.f32 v12, v6;
	v12 =	vmul.f32 $9.536752260e-07, v19;
	v13 =	vcvt.f32.s32 v20  }
.Ltmp0:
0x86: {  	v18 =	vsel vm0, $0x3F800000, v0;
	v19 =	vcvt.f32.s32 v14;
	v20 =	vcvt.f32.s32 v7;
	(pc) =	sbr.rel @p0 .LBB2_2-.Ltmp0, $4  }
0x87: {  	v22 =	vmul.f32 $9.536752260e-07, v5;
	v11 =	vadd.f32 v11, v18;
	vm0 =	vlt.f32 v12, v8;
	[tilespmem:s25+$0x10] =	vst v13  }
0x88: {  	v14 =	vmul.f32 $9.536752260e-07, v9;
	v8 =	vsel vm0, $0x3F800000, v0;
	v7 =	vcvt.s32.f32 v15;
	[tilespmem:s25+$0x0] =	vst v20  }
0x89: {  	v15 =	vadd.f32 v8, v11;
	v8 =	vcvt.f32.s32 v16;
	v13 =	vtrunc.f32 v17  }
0x8a: {  	s28 =	sadd.s32 $0x80, s28;
	v12 =	vmul.f32 $9.536752260e-07, v21;
	vm0 =	vlt.f32 v22, v6;
	v11 =	vcvt.s32.f32 v19  }
0x8b: {  	v6 =	vtrunc.f32 v15  }
0x8c: {  	v10 =	vcvt.s32.f32 v10;
	v15 =	vadd.f32 $1.000000000e+00, v7;
	vm2 =	vlt.f32 v14, v1  }
0x8d: {  	v19 =	vsel vm1, $0x3F800000, v0;
	v13 =	vcvt.f32.s32 v13;
	v6 =	vcvt.f32.s32 v6  }
0x8e: {  	v17 =	vsel vm2, $0x3F800000, v0;
	v16 =	vmul.f32 $9.536752260e-07, v10;
	v18 =	vadd.f32 $1.000000000e+00, v10  }
0x8f: {  	v14 =	vmul.f32 $9.536752260e-07, v11;
	v20 =	vadd.f32 $1.000000000e+00, v11;
	v9 =	vadd.f32 v9, v17  }
0x90: {  	v15 =	vmul.f32 $9.536752260e-07, v15;
	vm1 =	vlt.f32 v16, v2;
	v16 =	vmul.f32 $9.536752260e-07, v18  }
0x91: {  	v17 =	vsel vm1, $0x3F800000, v0;
	vm1 =	vlt.f32 v14, v3;
	v14 =	vmul.f32 $9.536752260e-07, v7  }
0x92: {  	v29 =	vsel vm1, $0x3F800000, v0;
	vm1 =	vlt.f32 v12, v1;
	vm2 =	vlt.f32 v16, v2  }
0x93: {  	v2 =	vmul.f32 $9.536752260e-07, v20;
	v10 =	vadd.f32 v10, v17;
	v1 =	vsel vm2, $0x3F800000, v0  }
0x94: {  	vm2 =	vlt.f32 v15, v4;
	v11 =	vadd.f32 v11, v29;
	v12 =	vsel vm1, $0x3F800000, v0  }
0x95: {  	vm1 =	vlt.f32 v14, v4;
	v15 =	vsel vm2, $0x3F800000, v0;
	vm2 =	vlt.f32 v2, v3  }
0x96: {  	v2 =	vadd.f32 v12, v9;
	v3 =	vsel vm1, $0x3F800000, v0;
	v1 =	vadd.f32 v1, v10  }
0x97: {  	v9 =	vsel vm0, $0x3F800000, v0;
	v4 =	vsel vm2, $0x3F800000, v0;
	v3 =	vadd.f32 v7, v3  }
0x98: {  	[tilespmem:s25+$0xFFFFFFC0] =	vst v8;
	v5 =	vadd.f32 v5, v9;
	v2 =	vtrunc.f32 v2;
	v4 =	vadd.f32 v4, v11  }
0x99: {  	[tilespmem:s24+$0x20] =	vst v13;
	v1 =	vtrunc.f32 v1;
	v2 =	vcvt.f32.s32 v2;
	v3 =	vadd.f32 v15, v3  }
0x9a: {  	[tilespmem:s24+$0xFFFFFFD0] =	vst v6;
	v1 =	vcvt.f32.s32 v1;
	v5 =	vadd.f32 v19, v5;
	v4 =	vtrunc.f32 v4  }
0x9b: {  	[tilespmem:s24+$0xFFFFFFE0] =	vst v2;
	v2 =	vtrunc.f32 v3;
	v3 =	vcvt.f32.s32 v4  }
0x9c: {  	[tilespmem:s24+$0xFFFFFFF0] =	vst v1;
	v1 =	vtrunc.f32 v5;
	v2 =	vcvt.f32.s32 v2  }
0x9d: {  	v1 =	vcvt.f32.s32 v1;
	[tilespmem:s24+$0x10] =	vst v3  }
0x9e: {  	[tilespmem:s24+$0x0] =	vst v2  }
0x9f: {  	[tilespmem:s24+$0xFFFFFFC0] =	vst v1  }
0xa0: {  	_ =	strace $0x90000049  }
0xa1: {  	_ =	strace $0x8000004A  }
0xa2: {  	_ =	swait.ge [sflag:s15], $0x2000  }
0xa3: {  	[sflag:s15] =	ssyncset.done $0x0  }
0xa4: {  	[sflag:s15] =	ssyncadd.s32 $0xFFFFE000  }
0xa5: {  	[bflag:$0x0] =	sbarrier.arrive $0xFFFF  }
0xa6: {  	_ =	strace $0x9000004A  }
0xa7: {  	[tilespmem:s18], [sflag:$0x1] =	stream.indirect.gather [spmem:s1], $0x1, s17, s16, $0xb8;
	[tilespmem:$0x1E000] =	vst v63  }
0xa8: {  	_ =	strace $0x8000004B  }
0xa9: {  	[tilespmem:s19], [sflag:$0x3] =	stream.linear.gather [hbm4b:s7+s2], $0x2000, $0x200038;
	[tilespmem:$0x1E000] =	vst v63  }
0xaa: {  	_ =	swait.ge [sflag:s14], $0x2000  }
0xab: {  	[sflag:s14] =	ssyncset.done $0x0  }
0xac: {  	[sflag:s14] =	ssyncadd.s32 $0xFFFFE000  }
0xad: {  	_ =	strace $0x9000004B  }
0xae: {  	s30 =	simm.s32 $0x16070;
	_ =	strace $0x8000004C  }
0xaf: {  	v1 =	vld [tilespmem:s30+$0x0]  }
0xb0: {  	v2 =	vld [tilespmem:s30+$0xFFFFFF90]  }
0xb1: {  	v3 =	vld [tilespmem:s30+$0xFFFFFFF0]  }
0xb2: {  	v4 =	vld [tilespmem:s30+$0xFFFFFFA0]  }
0xb3: {  	v7 =	vld [tilespmem:s30+$0xFFFFFFB0]  }
0xb4: {  	v8 =	vld [tilespmem:s30+$0xFFFFFFC0];
	_ =	sdelay $0x1  }
0xb5: {  	v5 =	vmul.f32 $1.048575000e+06, v1  }
0xb6: {  	v6 =	vmul.f32 $1.048575000e+06, v3;
	v9 =	vmul.f32 $1.048575000e+06, v2  }
0xb7: {  	v11 =	vmul.f32 $1.048575000e+06, v4;
	v12 =	vmul.f32 $1.048575000e+06, v7  }
0xb8: {  	v16 =	vmul.f32 $1.048575000e+06, v8;
	v5 =	vtrunc.f32 v5  }
0xb9: {  	v10 =	vld [tilespmem:s30+$0xFFFFFFE0];
	v6 =	vtrunc.f32 v6;
	v5 =	vcvt.f32.s32 v5  }
0xba: {  	v9 =	vtrunc.f32 v9;
	v6 =	vcvt.f32.s32 v6  }
0xbb: {  	v11 =	vtrunc.f32 v11;
	v5 =	vcvt.s32.f32 v5  }
0xbc: {  	v11 =	vcvt.f32.s32 v11;
	v6 =	vcvt.s32.f32 v6  }
0xbd: {  	v15 =	vld [tilespmem:s30+$0xFFFFFFD0];
	v9 =	vcvt.f32.s32 v9;
	v13 =	vmul.f32 $9.536752260e-07, v5;
	v14 =	vadd.f32 $1.000000000e+00, v5  }
0xbe: {  	v17 =	vmul.f32 $1.048575000e+06, v10;
	v11 =	vcvt.s32.f32 v11;
	v31 =	vadd.f32 $1.000000000e+00, v6  }
0xbf: {  	v9 =	vcvt.s32.f32 v9;
	vm0 =	vlt.f32 v13, v1;
	v13 =	vmul.f32 $9.536752260e-07, v14  }
0xc0: {  	v33 =	vadd.f32 $1.000000000e+00, v11;
	v14 =	vmul.f32 $9.536752260e-07, v6;
	v19 =	vmul.f32 $9.536752260e-07, v31  }
0xc1: {  	v30 =	vsel vm0, $0x3F800000, v0;
	vm0 =	vlt.f32 v13, v1;
	v1 =	vtrunc.f32 v12  }
0xc2: {  	vm1 =	vlt.f32 v14, v3;
	v5 =	vadd.f32 v5, v30;
	v13 =	vmul.f32 $1.048575000e+06, v15  }
0xc3: {  	v14 =	vadd.f32 $1.000000000e+00, v9;
	v12 =	vsel vm0, $0x3F800000, v0;
	v1 =	vcvt.f32.s32 v1  }
0xc4: {  	v32 =	vsel vm1, $0x3F800000, v0;
	vm0 =	vlt.f32 v19, v3;
	v13 =	vtrunc.f32 v13  }
0xc5: {  	v5 =	vadd.f32 v12, v5;
	v12 =	vmul.f32 $9.536752260e-07, v14;
	v14 =	vtrunc.f32 v16  }
0xc6: {  	v6 =	vadd.f32 v6, v32;
	v1 =	vcvt.s32.f32 v1;
	v13 =	vcvt.f32.s32 v13  }
0xc7: {  	v16 =	vsel vm0, $0x3F800000, v0;
	v14 =	vcvt.f32.s32 v14;
	v3 =	vtrunc.f32 v5  }
0xc8: {  	v5 =	vmul.f32 $9.536752260e-07, v11;
	v6 =	vadd.f32 v16, v6;
	vm1 =	vlt.f32 v12, v2  }
0xc9: {  	v34 =	vcvt.f32.s32 v3;
	v3 =	vadd.f32 $1.000000000e+00, v1;
	v16 =	vmul.f32 $9.536752260e-07, v1  }
0xca: {  	vm0 =	vlt.f32 v5, v4;
	v5 =	vtrunc.f32 v17;
	v17 =	vmul.f32 $9.536752260e-07, v33  }
0xcb: {  	v13 =	vcvt.s32.f32 v13;
	v23 =	vsel vm1, $0x3F800000, v0;
	v12 =	vsel vm0, $0x3F800000, v0  }
0xcc: {  	v5 =	vcvt.f32.s32 v5;
	v11 =	vadd.f32 v11, v12;
	vm0 =	vlt.f32 v17, v4  }
0xcd: {  	s31 =	simm.s32 $0x160F0;
	vm2 =	vlt.f32 v16, v7;
	v4 =	vmul.f32 $9.536752260e-07, v9;
	v12 =	vsel vm0, $0x3F800000, v0  }
0xce: {  	v16 =	vld [tilespmem:s31+$0xFFFFFFA0];
	v27 =	vmul.f32 $9.536752260e-07, v13;
	v35 =	vsel vm2, $0x3F800000, v0;
	v11 =	vadd.f32 v12, v11  }
0xcf: {  	v12 =	vtrunc.f32 v6;
	vm0 =	vlt.f32 v4, v2;
	v2 =	vmul.f32 $9.536752260e-07, v3  }
0xd0: {  	v18 =	vadd.f32 v1, v35;
	v4 =	vcvt.s32.f32 v5;
	v5 =	vcvt.s32.f32 v14  }
0xd1: {  	v1 =	vld [tilespmem:s31+$0xFFFFFFC0];
	v12 =	vcvt.f32.s32 v12;
	v52 =	vsel vm0, $0x3F800000, v0;
	v3 =	vtrunc.f32 v11  }
0xd2: {  	v6 =	vld [tilespmem:s31+$0xFFFFFF90];
	v11 =	vadd.f32 $1.000000000e+00, v13;
	v36 =	vmul.f32 $9.536752260e-07, v5;
	v21 =	vadd.f32 $1.000000000e+00, v5  }
0xd3: {  	v14 =	vld [tilespmem:s31+$0x0];
	v24 =	vadd.f32 $1.000000000e+00, v4;
	v39 =	vmul.f32 $1.048575000e+06, v16;
	v17 =	vcvt.f32.s32 v3  }
0xd4: {  	v22 =	vld [tilespmem:s31+$0xFFFFFFF0];
	v9 =	vadd.f32 v9, v52;
	v3 =	vmul.f32 $9.536752260e-07, v4;
	v37 =	vmul.f32 $9.536752260e-07, v21  }
0xd5: {  	vm1 =	vlt.f32 v36, v8;
	v11 =	vmul.f32 $9.536752260e-07, v11;
	v40 =	vmul.f32 $9.536752260e-07, v24  }
0xd6: {  	v42 =	vmul.f32 $1.048575000e+06, v1;
	v48 =	vtrunc.f32 v39;
	v23 =	vadd.f32 v23, v9  }
0xd7: {  	v38 =	vmul.f32 $1.048575000e+06, v6;
	v25 =	vsel vm1, $0x3F800000, v0;
	vm1 =	vlt.f32 v3, v10  }
0xd8: {  	v26 =	vmul.f32 $1.048575000e+06, v14;
	v28 =	vsel vm1, $0x3F800000, v0;
	vm1 =	vlt.f32 v2, v7  }
0xd9: {  	v7 =	vmul.f32 $1.048575000e+06, v22;
	vm2 =	vlt.f32 v37, v8;
	v5 =	vadd.f32 v5, v25  }
0xda: {  	v3 =	vld [tilespmem:s31+$0xFFFFFFB0];
	v60 =	vtrunc.f32 v23;
	v4 =	vadd.f32 v4, v28;
	v8 =	vtrunc.f32 v38  }
0xdb: {  	v20 =	vsel vm2, $0x3F800000, v0;
	v2 =	vtrunc.f32 v26;
	vm2 =	vlt.f32 v11, v15  }
0xdc: {  	v11 =	vsel vm1, $0x3F800000, v0;
	vm1 =	vlt.f32 v27, v15;
	v27 =	vcvt.f32.s32 v48  }
0xdd: {  	v2 =	vcvt.f32.s32 v2;
	v11 =	vadd.f32 v11, v18;
	v7 =	vtrunc.f32 v7  }
0xde: {  	v20 =	vadd.f32 v20, v5;
	v5 =	vcvt.f32.s32 v8;
	v7 =	vcvt.f32.s32 v7  }
0xdf: {  	v44 =	vsel vm2, $0x3F800000, v0;
	v27 =	vcvt.s32.f32 v27;
	v41 =	vmul.f32 $1.048575000e+06, v3  }
0xe0: {  	vm2 =	vlt.f32 v40, v10;
	v43 =	vcvt.s32.f32 v2;
	v11 =	vtrunc.f32 v11  }
0xe1: {  	v45 =	vsel vm1, $0x3F800000, v0;
	v5 =	vcvt.s32.f32 v5;
	v20 =	vtrunc.f32 v20  }
0xe2: {  	v46 =	vsel vm2, $0x3F800000, v0;
	v7 =	vcvt.s32.f32 v7;
	v11 =	vcvt.f32.s32 v11  }
0xe3: {  	v13 =	vadd.f32 v13, v45;
	v20 =	vcvt.f32.s32 v20;
	v57 =	vmul.f32 $9.536752260e-07, v27  }
0xe4: {  	v58 =	vadd.f32 $1.000000000e+00, v27;
	v15 =	vadd.f32 $1.000000000e+00, v43;
	v10 =	vmul.f32 $9.536752260e-07, v43  }
0xe5: {  	v2 =	vld [tilespmem:s31+$0xFFFFFFE0];
	v8 =	vtrunc.f32 v41;
	v54 =	vadd.f32 $1.000000000e+00, v5;
	v63 =	vmul.f32 $9.536752260e-07, v5  }
0xe6: {  	s25 =	simm.s32 $0x1A070;
	v47 =	vmul.f32 $9.536752260e-07, v7;
	v49 =	vadd.f32 $1.000000000e+00, v7;
	v8 =	vcvt.f32.s32 v8  }
0xe7: {  	[tilespmem:s25+$0xFFFFFFF0] =	vst v12;
	v13 =	vadd.f32 v44, v13;
	v12 =	vmul.f32 $9.536752260e-07, v58;
	v15 =	vmul.f32 $9.536752260e-07, v15  }
0xe8: {  	vm1 =	vlt.f32 v10, v14;
	v26 =	vmul.f32 $9.536752260e-07, v54;
	v55 =	vmul.f32 $9.536752260e-07, v49  }
0xe9: {  	v10 =	vadd.f32 v46, v4;
	v9 =	vcvt.s32.f32 v8;
	v8 =	vtrunc.f32 v42  }
0xea: {  	v4 =	vld [tilespmem:s31+$0xFFFFFFD0];
	vm2 =	vlt.f32 v15, v14;
	v14 =	vmul.f32 $1.048575000e+06, v2;
	v15 =	vsel vm1, $0x3F800000, v0  }
0xeb: {  	vm1 =	vlt.f32 v47, v22;
	v56 =	vtrunc.f32 v10;
	v10 =	vcvt.f32.s32 v8  }
0xec: {  	v15 =	vadd.f32 v43, v15;
	v50 =	vsel vm2, $0x3F800000, v0;
	v53 =	vsel vm1, $0x3F800000, v0  }
0xed: {  	vm0 =	vlt.f32 v55, v22;
	v59 =	vadd.f32 $1.000000000e+00, v9;
	vm1 =	vlt.f32 v26, v6  }
0xee: {  	v7 =	vadd.f32 v7, v53;
	v22 =	vsel vm0, $0x3F800000, v0;
	vm0 =	vlt.f32 v57, v16  }
0xef: {  	v14 =	vtrunc.f32 v14;
	v51 =	vmul.f32 $1.048575000e+06, v4;
	v15 =	vadd.f32 v50, v15  }
0xf0: {  	[tilespmem:s25+$0xFFFFFFB0] =	vst v11;
	v11 =	vsel vm0, $0x3F800000, v0;
	v61 =	vcvt.f32.s32 v14;
	v14 =	vmul.f32 $9.536752260e-07, v9  }
0xf1: {  	[tilespmem:s25+$0xFFFFFFA0] =	vst v17;
	v17 =	vadd.f32 v22, v7;
	v7 =	vtrunc.f32 v13;
	v15 =	vtrunc.f32 v15  }
0xf2: {  	[tilespmem:s25+$0x0] =	vst v34;
	vm0 =	vlt.f32 v12, v16;
	v21 =	vtrunc.f32 v51;
	v8 =	vcvt.f32.s32 v15  }
0xf3: {  	s24 =	simm.s32 $0x1A0F0;
	[tilespmem:s25+$0xFFFFFFC0] =	vst v20;
	v13 =	vcvt.f32.s32 v56;
	v11 =	vadd.f32 v27, v11;
	v21 =	vcvt.f32.s32 v21  }
0xf4: {  	v12 =	vmul.f32 $9.536752260e-07, v59;
	v62 =	vcvt.f32.s32 v7;
	[tilespmem:s24+$0x0] =	vst v8;
	v8 =	vsel vm0, $0x3F800000, v0  }
0xf5: {  	[tilespmem:s25+$0xFFFFFFE0] =	vst v13;
	v7 =	vcvt.s32.f32 v21;
	v15 =	vadd.f32 v8, v11;
	v8 =	vcvt.f32.s32 v60  }
0xf6: {  	s26 =	simm.s32 $0x80;
	s28 =	simm.s32 $0x16170;
	v13 =	vtrunc.f32 v17;
	[tilespmem:s25+$0xFFFFFFD0] =	vst v62;
	vm0 =	vlt.f32 v63, v6;
	v11 =	vcvt.s32.f32 v61  }
.LBB2_4:
0xf7: {  	v6 =	vld [tilespmem:s28+$0xFFFFFF90];
	s26 =	sadd.s32 $0x80, s26;
	v15 =	vtrunc.f32 v15;
	v10 =	vcvt.s32.f32 v10;
	v16 =	vadd.f32 $1.000000000e+00, v7;
	[tilespmem:s25+$0xFFFFFF90] =	vst v8;
	s25 =	smov.u32 s24;
	s24 =	sadd.s32 $0x80, s24  }
0xf8: {  	vm2 =	vlt.f32 v14, v3;
	v17 =	vld [tilespmem:s28+$0x0];
	p0 =	slt.u32 s26, $0x1F80;
	v15 =	vcvt.f32.s32 v15;
	v14 =	vmul.f32 $9.536752260e-07, v11  }
0xf9: {  	v18 =	vsel vm2, $0x3F800000, v0;
	v8 =	vld [tilespmem:s28+$0xFFFFFFA0];
	v19 =	vmul.f32 $9.536752260e-07, v10;
	v20 =	vadd.f32 $1.000000000e+00, v10  }
0xfa: {  	v22 =	vsel vm1, $0x3F800000, v0;
	v13 =	vcvt.f32.s32 v13;
	v21 =	vld [tilespmem:s28+$0xFFFFFFF0];
	[tilespmem:s25+$0xFFFFFFA0] =	vst v15;
	v15 =	vadd.f32 $1.000000000e+00, v11  }
0xfb: {  	v9 =	vadd.f32 v9, v18;
	v23 =	vld [tilespmem:s28+$0xFFFFFFB0];
	vm1 =	vlt.f32 v19, v1;
	v18 =	vmul.f32 $9.536752260e-07, v20  }
0xfc: {  	v19 =	vmul.f32 $1.048575000e+06, v6;
	v20 =	vld [tilespmem:s28+$0xFFFFFFC0];
	v24 =	vsel vm1, $0x3F800000, v0;
	vm1 =	vlt.f32 v14, v2  }
0xfd: {  	v26 =	vmul.f32 $9.536752260e-07, v7;
	v14 =	vld [tilespmem:s28+$0xFFFFFFE0];
	v25 =	vmul.f32 $1.048575000e+06, v17;
	v27 =	vsel vm1, $0x3F800000, v0;
	[tilespmem:s25+$0xFFFFFFF0] =	vst v13  }
0xfe: {  	v16 =	vmul.f32 $9.536752260e-07, v16;
	v13 =	vmul.f32 $1.048575000e+06, v8;
	v28 =	vld [tilespmem:s28+$0xFFFFFFD0];
	v11 =	vadd.f32 v11, v27  }
0xff: {  	vm1 =	vlt.f32 v12, v3;
	vm2 =	vlt.f32 v18, v1;
	v27 =	vmul.f32 $1.048575000e+06, v21  }
0x100: {  	v12 =	vtrunc.f32 v19;
	v18 =	vsel vm2, $0x3F800000, v0;
	vm2 =	vlt.f32 v16, v4;
	v3 =	vmovc v23  }
0x101: {  	v15 =	vmul.f32 $9.536752260e-07, v15;
	v19 =	vsel vm1, $0x3F800000, v0;
	v16 =	vtrunc.f32 v25;
	v1 =	vmovc v20  }
0x102: {  	v9 =	vadd.f32 v19, v9;
	v16 =	vcvt.f32.s32 v16;
	v20 =	vmul.f32 $1.048575000e+06, v3  }
0x103: {  	v25 =	vsel vm2, $0x3F800000, v0;
	v23 =	vtrunc.f32 v27;
	v19 =	vmul.f32 $1.048575000e+06, v1  }
0x104: {  	v10 =	vadd.f32 v10, v24;
	v9 =	vtrunc.f32 v9;
	v16 =	vcvt.s32.f32 v16  }
0x105: {  	vm1 =	vlt.f32 v26, v4;
	vm2 =	vlt.f32 v15, v2;
	v23 =	vcvt.f32.s32 v23;
	v2 =	vmovc v14;
	v4 =	vmovc v28  }
0x106: {  	v24 =	vsel vm1, $0x3F800000, v0;
	v14 =	vmul.f32 $9.536752260e-07, v16;
	v15 =	vadd.f32 $1.000000000e+00, v16  }
0x107: {  	v26 =	vsel vm2, $0x3F800000, v0;
	v9 =	vcvt.f32.s32 v9;
	v23 =	vcvt.s32.f32 v23  }
0x108: {  	v27 =	vmul.f32 $1.048575000e+06, v2;
	vm1 =	vlt.f32 v14, v17;
	v14 =	vmul.f32 $9.536752260e-07, v15  }
0x109: {  	v15 =	vmul.f32 $9.536752260e-07, v23;
	v28 =	vsel vm1, $0x3F800000, v0;
	[tilespmem:s25+$0xFFFFFFB0] =	vst v9;
	v9 =	vadd.f32 v26, v11  }
0x10a: {  	vm1 =	vlt.f32 v14, v17;
	v11 =	vtrunc.f32 v13;
	v13 =	vadd.f32 $1.000000000e+00, v23  }
0x10b: {  	v12 =	vcvt.f32.s32 v12;
	v14 =	vtrunc.f32 v20;
	vm2 =	vlt.f32 v15, v21  }
0x10c: {  	v10 =	vadd.f32 v18, v10;
	v15 =	vadd.f32 v16, v28;
	v16 =	vsel vm1, $0x3F800000, v0  }
0x10d: {  	v12 =	vcvt.s32.f32 v12;
	v14 =	vcvt.f32.s32 v14;
	v17 =	vsel vm2, $0x3F800000, v0  }
0x10e: {  	v7 =	vadd.f32 v7, v24;
	v18 =	vmul.f32 $1.048575000e+06, v4;
	v20 =	vsel vm0, $0x3F800000, v0  }
0x10f: {  	v11 =	vcvt.f32.s32 v11;
	v15 =	vadd.f32 v16, v15;
	v16 =	vadd.f32 v5, v20;
	v5 =	vmovc v12  }
0x110: {  	v10 =	vtrunc.f32 v10;
	v18 =	vtrunc.f32 v18;
	v12 =	vadd.f32 $1.000000000e+00, v5  }
0x111: {  	v10 =	vcvt.f32.s32 v10;
	v17 =	vadd.f32 v23, v17;
	v13 =	vmul.f32 $9.536752260e-07, v13  }
0x112: {  	v20 =	vtrunc.f32 v9;
	v11 =	vcvt.s32.f32 v11;
	v16 =	vadd.f32 v22, v16  }
0x113: {  	v9 =	vcvt.s32.f32 v14;
	v12 =	vmul.f32 $9.536752260e-07, v12;
	vm0 =	vlt.f32 v13, v21;
	[tilespmem:s25+$0xFFFFFFC0] =	vst v10  }
0x114: {  	v7 =	vadd.f32 v25, v7;
	v13 =	vtrunc.f32 v15;
	v10 =	vtrunc.f32 v19  }
0x115: {  	v15 =	vcvt.f32.s32 v18;
	v14 =	vmul.f32 $9.536752260e-07, v11;
	v18 =	vsel vm0, $0x3F800000, v0  }
0x116: {  	v13 =	vcvt.f32.s32 v13;
	v19 =	vadd.f32 $1.000000000e+00, v11;
	v10 =	vcvt.f32.s32 v10  }
0x117: {  	v21 =	vadd.f32 $1.000000000e+00, v9;
	v16 =	vtrunc.f32 v16;
	vm0 =	vlt.f32 v14, v8  }
0x118: {  	v7 =	vtrunc.f32 v7;
	v17 =	vadd.f32 v18, v17;
	v14 =	vtrunc.f32 v27;
	[tilespmem:s24+$0x0] =	vst v13  }
0x119: {  	vm1 =	vlt.f32 v12, v6;
	v12 =	vmul.f32 $9.536752260e-07, v19;
	v13 =	vcvt.f32.s32 v20  }
.Ltmp1:
0x11a: {  	v18 =	vsel vm0, $0x3F800000, v0;
	v19 =	vcvt.f32.s32 v14;
	v20 =	vcvt.f32.s32 v7;
	(pc) =	sbr.rel @p0 .LBB2_4-.Ltmp1, $4  }
0x11b: {  	v22 =	vmul.f32 $9.536752260e-07, v5;
	v11 =	vadd.f32 v11, v18;
	vm0 =	vlt.f32 v12, v8;
	[tilespmem:s25+$0xFFFFFFE0] =	vst v13  }
0x11c: {  	v14 =	vmul.f32 $9.536752260e-07, v9;
	v8 =	vsel vm0, $0x3F800000, v0;
	v7 =	vcvt.s32.f32 v15;
	[tilespmem:s25+$0xFFFFFFD0] =	vst v20  }
0x11d: {  	v15 =	vadd.f32 v8, v11;
	v8 =	vcvt.f32.s32 v16;
	v13 =	vtrunc.f32 v17  }
0x11e: {  	s28 =	sadd.s32 $0x80, s28;
	v12 =	vmul.f32 $9.536752260e-07, v21;
	vm0 =	vlt.f32 v22, v6;
	v11 =	vcvt.s32.f32 v19  }
0x11f: {  	v6 =	vtrunc.f32 v15  }
0x120: {  	v10 =	vcvt.s32.f32 v10;
	v15 =	vadd.f32 $1.000000000e+00, v7;
	vm2 =	vlt.f32 v14, v3  }
0x121: {  	v18 =	vsel vm1, $0x3F800000, v0;
	v6 =	vcvt.f32.s32 v6;
	v14 =	vmul.f32 $9.536752260e-07, v11  }
0x122: {  	v16 =	vsel vm2, $0x3F800000, v0;
	vm9 =	vlt.f32 v12, v3;
	v3 =	vadd.f32 $1.000000000e+00, v11  }
0x123: {  	v17 =	vmul.f32 $9.536752260e-07, v10;
	v9 =	vadd.f32 v9, v16;
	v16 =	vadd.f32 $1.000000000e+00, v10  }
0x124: {  	v12 =	vcvt.f32.s32 v13;
	vm11 =	vlt.f32 v14, v2;
	v14 =	vmul.f32 $9.536752260e-07, v15  }
0x125: {  	v3 =	vmul.f32 $9.536752260e-07, v3;
	vm10 =	vlt.f32 v17, v1;
	v13 =	vmul.f32 $9.536752260e-07, v16  }
0x126: {  	v15 =	vsel vm11, $0x3F800000, v0;
	v16 =	vsel vm10, $0x3F800000, v0;
	vm13 =	vlt.f32 v14, v4  }
0x127: {  	v11 =	vadd.f32 v11, v15;
	vm12 =	vlt.f32 v13, v1;
	v1 =	vmul.f32 $9.536752260e-07, v7  }
0x128: {  	v14 =	vsel vm9, $0x3F800000, v0;
	vm15 =	vlt.f32 v3, v2;
	v15 =	vsel vm13, $0x3F800000, v0  }
0x129: {  	v10 =	vadd.f32 v10, v16;
	v3 =	vsel vm15, $0x3F800000, v0;
	vm14 =	vlt.f32 v1, v4  }
0x12a: {  	v13 =	vsel vm12, $0x3F800000, v0;
	v1 =	vadd.f32 v14, v9;
	v2 =	vsel vm14, $0x3F800000, v0  }
0x12b: {  	v4 =	vadd.f32 v13, v10;
	v9 =	vsel vm0, $0x3F800000, v0;
	v2 =	vadd.f32 v7, v2  }
0x12c: {  	[tilespmem:s25+$0xFFFFFF90] =	vst v8;
	v3 =	vadd.f32 v3, v11;
	v5 =	vadd.f32 v5, v9;
	v1 =	vtrunc.f32 v1  }
0x12d: {  	[tilespmem:s24+$0xFFFFFFA0] =	vst v6;
	v4 =	vtrunc.f32 v4;
	v1 =	vcvt.f32.s32 v1;
	v2 =	vadd.f32 v15, v2  }
0x12e: {  	[tilespmem:s24+$0xFFFFFFF0] =	vst v12;
	v3 =	vtrunc.f32 v3;
	v4 =	vcvt.f32.s32 v4;
	v5 =	vadd.f32 v18, v5  }
0x12f: {  	[tilespmem:s24+$0xFFFFFFB0] =	vst v1;
	v1 =	vtrunc.f32 v2;
	v2 =	vcvt.f32.s32 v3  }
0x130: {  	[tilespmem:s24+$0xFFFFFFC0] =	vst v4;
	v3 =	vtrunc.f32 v5;
	v1 =	vcvt.f32.s32 v1  }
0x131: {  	[tilespmem:s24+$0xFFFFFFE0] =	vst v2;
	v2 =	vcvt.f32.s32 v3  }
0x132: {  	[tilespmem:s24+$0xFFFFFFD0] =	vst v1  }
0x133: {  	[tilespmem:s24+$0xFFFFFF90] =	vst v2  }
0x134: {  	_ =	strace $0x9000004C  }
0x135: {  	_ =	strace $0x8000004D  }
0x136: {  	_ =	swait.ge [sflag:s20], $0x2000  }
0x137: {  	[sflag:s20] =	ssyncset.done $0x0  }
0x138: {  	[sflag:s20] =	ssyncadd.s32 $0xFFFFE000  }
0x139: {  	_ =	strace $0x9000004D  }
0x13a: {  	s26 =	simm.s32 $0x18040;
	_ =	strace $0x8000004E  }
0x13b: {  	v1 =	vld [tilespmem:s26+$0x30]  }
0x13c: {  	v2 =	vld [tilespmem:s26+$0xFFFFFFC0]  }
0x13d: {  	v3 =	vld [tilespmem:s26+$0xFFFFFFD0]  }
0x13e: {  	s24 =	simm.s32 $0x14040;
	v4 =	vld [tilespmem:s26+$0xFFFFFFE0]  }
0x13f: {  	s25 =	simm.s32 $0x1C040;
	v5 =	vld [tilespmem:s24+$0x30]  }
0x140: {  	v6 =	vld [tilespmem:s25+$0x30]  }
0x141: {  	v7 =	vld [tilespmem:s26+$0xFFFFFFF0]  }
0x142: {  	v8 =	vld [tilespmem:s26+$0x0]  }
0x143: {  	v9 =	vld [tilespmem:s26+$0x10]  }
0x144: {  	v10 =	vld [tilespmem:s26+$0x20]  }
0x145: {  	v11 =	vld [tilespmem:s24+$0xFFFFFFD0];
	v1 =	vcvt.s32.f32 v1  }
0x146: {  	v12 =	vld [tilespmem:s24+$0xFFFFFFE0];
	v2 =	vcvt.s32.f32 v2  }
0x147: {  	v13 =	vld [tilespmem:s24+$0xFFFFFFF0];
	v3 =	vcvt.s32.f32 v3;
	v1 =	vmul.f32 $9.536752260e-07, v1  }
0x148: {  	v15 =	vld [tilespmem:s24+$0x0];
	v4 =	vcvt.s32.f32 v4  }
0x149: {  	v17 =	vld [tilespmem:s24+$0x10];
	v16 =	vmul.f32 $9.536752260e-07, v2;
	v2 =	vmul.f32 $9.536752260e-07, v3;
	v1 =	vsub.f32 v5, v1  }
0x14a: {  	v3 =	vmul.f32 $9.536752260e-07, v4;
	v4 =	vshll.u32 v6, $0x10;
	v5 =	vcvt.s32.f32 v7;
	v7 =	vld [tilespmem:s24+$0x20]  }
0x14b: {  	v1 =	vmul.f32 v4, v1;
	v4 =	vcvt.s32.f32 v8;
	v8 =	vld [tilespmem:s24+$0xFFFFFFC0]  }
0x14c: {  	v6 =	vand.u32 $0xFFFF0000, v6;
	v63 =	vmul.f32 $9.536752260e-07, v5;
	v5 =	vcvt.s32.f32 v9;
	v9 =	vld [tilespmem:s25+$0xFFFFFFC0]  }
0x14d: {  	v19 =	vadd.f32 v6, v1;
	v1 =	vmul.f32 $9.536752260e-07, v4;
	v4 =	vcvt.s32.f32 v10;
	v10 =	vld [tilespmem:s25+$0xFFFFFFD0]  }
0x14e: {  	v14 =	vld [tilespmem:s25+$0xFFFFFFE0];
	v6 =	vsub.f32 v11, v2;
	v2 =	vmul.f32 $9.536752260e-07, v5;
	v5 =	vsub.f32 v12, v3  }
0x14f: {  	v12 =	vmul.f32 $9.536752260e-07, v4;
	v4 =	vsub.f32 v13, v63;
	v3 =	vsub.f32 v15, v1;
	v13 =	vld [tilespmem:s25+$0xFFFFFFF0]  }
0x150: {  	v11 =	vld [tilespmem:s25+$0x0];
	v2 =	vsub.f32 v17, v2;
	v15 =	vsub.f32 v8, v16  }
0x151: {  	s26 =	simm.s32 $0x10040;
	v8 =	vld [tilespmem:s25+$0x10];
	v1 =	vsub.f32 v7, v12;
	v7 =	vand.u32 $0xFFFF0000, v9;
	v9 =	vshll.u32 v9, $0x10  }
0x152: {  	s28 =	simm.s32 $0x0;
	s29 =	simm.s32 $0x180C0;
	[tilespmem:s26+$0x30] =	vst v19;
	v12 =	vmul.f32 v9, v15;
	v9 =	vand.u32 $0xFFFF0000, v10;
	v15 =	vshll.u32 v10, $0x10;
	v10 =	vld [tilespmem:s25+$0x20]  }
.LBB2_6:
0x153: {  	v16 =	vld [tilespmem:s29+$0x30];
	s28 =	sadd.s32 $0x80, s28;
	v6 =	vmul.f32 v15, v6;
	v15 =	vand.u32 $0xFFFF0000, v14;
	v14 =	vshll.u32 v14, $0x10  }
0x154: {  	v17 =	vld [tilespmem:s29+$0xFFFFFFC0];
	p0 =	slt.u32 s28, $0x1F80;
	v5 =	vmul.f32 v14, v5;
	v14 =	vand.u32 $0xFFFF0000, v13;
	v13 =	vshll.u32 v13, $0x10  }
0x155: {  	v18 =	vld [tilespmem:s29+$0xFFFFFFD0];
	v4 =	vmul.f32 v13, v4;
	v13 =	vand.u32 $0xFFFF0000, v11;
	v11 =	vshll.u32 v11, $0x10  }
0x156: {  	s24 =	sadd.s32 $0x80, s24;
	v19 =	vld [tilespmem:s29+$0xFFFFFFE0];
	v3 =	vmul.f32 v11, v3;
	v11 =	vand.u32 $0xFFFF0000, v8;
	v8 =	vshll.u32 v8, $0x10  }
0x157: {  	s25 =	sadd.s32 $0x80, s25;
	v20 =	vld [tilespmem:s24+$0x30];
	v2 =	vmul.f32 v8, v2;
	v8 =	vand.u32 $0xFFFF0000, v10;
	v10 =	vshll.u32 v10, $0x10  }
0x158: {  	v7 =	vadd.f32 v7, v12;
	v21 =	vld [tilespmem:s25+$0x30];
	v16 =	vcvt.s32.f32 v16;
	v1 =	vmul.f32 v10, v1  }
0x159: {  	v6 =	vadd.f32 v9, v6;
	v5 =	vadd.f32 v15, v5;
	v10 =	vcvt.s32.f32 v17;
	v12 =	vld [tilespmem:s29+$0xFFFFFFF0]  }
0x15a: {  	v4 =	vadd.f32 v14, v4;
	v9 =	vcvt.s32.f32 v18;
	v15 =	vld [tilespmem:s29+$0x0];
	v16 =	vmul.f32 $9.536752260e-07, v16;
	[tilespmem:s26+$0xFFFFFFC0] =	vst v7  }
0x15b: {  	v3 =	vadd.f32 v13, v3;
	v7 =	vmul.f32 $9.536752260e-07, v10;
	v10 =	vcvt.s32.f32 v19;
	v14 =	vld [tilespmem:s29+$0x10];
	[tilespmem:s26+$0xFFFFFFD0] =	vst v6  }
0x15c: {  	v2 =	vadd.f32 v11, v2;
	v6 =	vmul.f32 $9.536752260e-07, v9;
	v9 =	vld [tilespmem:s29+$0x20];
	v13 =	vsub.f32 v20, v16;
	[tilespmem:s26+$0xFFFFFFE0] =	vst v5  }
0x15d: {  	v1 =	vadd.f32 v8, v1;
	v5 =	vld [tilespmem:s24+$0xFFFFFFD0];
	v10 =	vmul.f32 $9.536752260e-07, v10;
	v11 =	vshll.u32 v21, $0x10;
	[tilespmem:s26+$0xFFFFFFF0] =	vst v4  }
0x15e: {  	v4 =	vld [tilespmem:s24+$0xFFFFFFE0];
	v8 =	vcvt.s32.f32 v12;
	v11 =	vmul.f32 v11, v13;
	[tilespmem:s26+$0x0] =	vst v3  }
0x15f: {  	v13 =	vand.u32 $0xFFFF0000, v21;
	v3 =	vld [tilespmem:s24+$0xFFFFFFF0];
	v12 =	vcvt.s32.f32 v15;
	[tilespmem:s26+$0x10] =	vst v2  }
0x160: {  	v2 =	vmul.f32 $9.536752260e-07, v8;
	v8 =	vld [tilespmem:s24+$0x0];
	v14 =	vcvt.s32.f32 v14;
	v11 =	vadd.f32 v13, v11;
	[tilespmem:s26+$0x20] =	vst v1  }
0x161: {  	s26 =	sadd.s32 $0x80, s26;
	v1 =	vmul.f32 $9.536752260e-07, v12;
	v12 =	vld [tilespmem:s24+$0x10];
	v9 =	vcvt.s32.f32 v9  }
0x162: {  	v6 =	vsub.f32 v5, v6;
	v13 =	vmul.f32 $9.536752260e-07, v14;
	v15 =	vld [tilespmem:s24+$0x20];
	[tilespmem:s26+$0x30] =	vst v11  }
0x163: {  	v11 =	vld [tilespmem:s24+$0xFFFFFFC0];
	v5 =	vsub.f32 v4, v10;
	v9 =	vmul.f32 $9.536752260e-07, v9  }
0x164: {  	v10 =	vld [tilespmem:s25+$0xFFFFFFC0];
	v4 =	vsub.f32 v3, v2  }
0x165: {  	v16 =	vld [tilespmem:s25+$0xFFFFFFD0];
	v3 =	vsub.f32 v8, v1  }
.Ltmp2:
0x166: {  	v14 =	vld [tilespmem:s25+$0xFFFFFFE0];
	v2 =	vsub.f32 v12, v13;
	(pc) =	sbr.rel @p0 .LBB2_6-.Ltmp2, $4  }
0x167: {  	v13 =	vld [tilespmem:s25+$0xFFFFFFF0];
	v1 =	vsub.f32 v15, v9  }
0x168: {  	v9 =	vsub.f32 v11, v7;
	v11 =	vld [tilespmem:s25+$0x0]  }
0x169: {  	v7 =	vand.u32 $0xFFFF0000, v10;
	v10 =	vshll.u32 v10, $0x10;
	v8 =	vld [tilespmem:s25+$0x10]  }
0x16a: {  	s29 =	sadd.s32 $0x80, s29;
	v12 =	vmul.f32 v10, v9;
	v9 =	vand.u32 $0xFFFF0000, v16;
	v15 =	vshll.u32 v16, $0x10;
	v10 =	vld [tilespmem:s25+$0x20]  }
0x16b: {  	v6 =	vmul.f32 v15, v6;
	v15 =	vshll.u32 v14, $0x10  }
0x16c: {  	v14 =	vand.u32 $0xFFFF0000, v14;
	v5 =	vmul.f32 v15, v5;
	v15 =	vshll.u32 v13, $0x10  }
0x16d: {  	v13 =	vand.u32 $0xFFFF0000, v13;
	v7 =	vadd.f32 v7, v12;
	v4 =	vmul.f32 v15, v4  }
0x16e: {  	v12 =	vand.u32 $0xFFFF0000, v11;
	v11 =	vshll.u32 v11, $0x10;
	v6 =	vadd.f32 v9, v6  }
0x16f: {  	v3 =	vmul.f32 v11, v3;
	v9 =	vshll.u32 v8, $0x10;
	v5 =	vadd.f32 v14, v5;
	[tilespmem:s26+$0xFFFFFFC0] =	vst v7  }
0x170: {  	v2 =	vmul.f32 v9, v2;
	v7 =	vshll.u32 v10, $0x10;
	v4 =	vadd.f32 v13, v4;
	[tilespmem:s26+$0xFFFFFFD0] =	vst v6  }
0x171: {  	v6 =	vand.u32 $0xFFFF0000, v8;
	v1 =	vmul.f32 v7, v1;
	v3 =	vadd.f32 v12, v3;
	[tilespmem:s26+$0xFFFFFFE0] =	vst v5  }
0x172: {  	v5 =	vand.u32 $0xFFFF0000, v10;
	v2 =	vadd.f32 v6, v2;
	[tilespmem:s26+$0xFFFFFFF0] =	vst v4  }
0x173: {  	v1 =	vadd.f32 v5, v1;
	[tilespmem:s26+$0x0] =	vst v3  }
0x174: {  	[tilespmem:s26+$0x10] =	vst v2  }
0x175: {  	[tilespmem:s26+$0x20] =	vst v1  }
0x176: {  	_ =	strace $0x9000004E  }
0x177: {  	[tilespmem:s18], [sflag:$0x1] =	stream.indirect.gather [spmem:s1], $0x1, s21, s16, $0xb8;
	[tilespmem:$0x1E000] =	vst v63  }
0x178: {  	_ =	strace $0x8000004F  }
0x179: {  	[tilespmem:s13], [sflag:$0x3] =	stream.linear.gather [hbm4b:s8+s2], $0x2000, $0x200038;
	[tilespmem:$0x1E000] =	vst v63  }
0x17a: {  	_ =	swait.ge [sflag:s14], $0x2000  }
0x17b: {  	[sflag:s14] =	ssyncset.done $0x0  }
0x17c: {  	[sflag:s14] =	ssyncadd.s32 $0xFFFFE000  }
0x17d: {  	_ =	strace $0x9000004F  }
0x17e: {  	s24 =	simm.s32 $0x14040;
	_ =	strace $0x80000050  }
0x17f: {  	v1 =	vld [tilespmem:s24+$0x30]  }
0x180: {  	v2 =	vld [tilespmem:s24+$0xFFFFFFC0]  }
0x181: {  	v3 =	vld [tilespmem:s24+$0x20]  }
0x182: {  	v4 =	vld [tilespmem:s24+$0xFFFFFFD0]  }
0x183: {  	v7 =	vld [tilespmem:s24+$0xFFFFFFE0]  }
0x184: {  	v8 =	vld [tilespmem:s24+$0xFFFFFFF0];
	_ =	sdelay $0x1  }
0x185: {  	v5 =	vmul.f32 $1.048575000e+06, v1  }
0x186: {  	v6 =	vmul.f32 $1.048575000e+06, v3;
	v9 =	vmul.f32 $1.048575000e+06, v2  }
0x187: {  	v11 =	vmul.f32 $1.048575000e+06, v4;
	v12 =	vmul.f32 $1.048575000e+06, v7  }
0x188: {  	v16 =	vmul.f32 $1.048575000e+06, v8;
	v5 =	vtrunc.f32 v5  }
0x189: {  	v10 =	vld [tilespmem:s24+$0x10];
	v6 =	vtrunc.f32 v6;
	v5 =	vcvt.f32.s32 v5  }
0x18a: {  	v9 =	vtrunc.f32 v9;
	v6 =	vcvt.f32.s32 v6  }
0x18b: {  	v11 =	vtrunc.f32 v11;
	v5 =	vcvt.s32.f32 v5  }
0x18c: {  	v11 =	vcvt.f32.s32 v11;
	v6 =	vcvt.s32.f32 v6  }
0x18d: {  	v15 =	vld [tilespmem:s24+$0x0];
	v9 =	vcvt.f32.s32 v9;
	v13 =	vmul.f32 $9.536752260e-07, v5;
	v14 =	vadd.f32 $1.000000000e+00, v5  }
0x18e: {  	v17 =	vmul.f32 $1.048575000e+06, v10;
	v11 =	vcvt.s32.f32 v11;
	v19 =	vadd.f32 $1.000000000e+00, v6  }
0x18f: {  	v9 =	vcvt.s32.f32 v9;
	vm0 =	vlt.f32 v13, v1;
	v13 =	vmul.f32 $9.536752260e-07, v14  }
0x190: {  	v34 =	vadd.f32 $1.000000000e+00, v11;
	v14 =	vmul.f32 $9.536752260e-07, v6;
	v19 =	vmul.f32 $9.536752260e-07, v19  }
0x191: {  	v18 =	vsel vm0, $0x3F800000, v0;
	vm0 =	vlt.f32 v13, v1;
	v1 =	vtrunc.f32 v12  }
0x192: {  	vm1 =	vlt.f32 v14, v3;
	v5 =	vadd.f32 v5, v18;
	v13 =	vmul.f32 $1.048575000e+06, v15  }
0x193: {  	v14 =	vadd.f32 $1.000000000e+00, v9;
	v12 =	vsel vm0, $0x3F800000, v0;
	v1 =	vcvt.f32.s32 v1  }
0x194: {  	v33 =	vsel vm1, $0x3F800000, v0;
	vm0 =	vlt.f32 v19, v3;
	v13 =	vtrunc.f32 v13  }
0x195: {  	v5 =	vadd.f32 v12, v5;
	v12 =	vmul.f32 $9.536752260e-07, v14;
	v14 =	vtrunc.f32 v16  }
0x196: {  	v6 =	vadd.f32 v6, v33;
	v1 =	vcvt.s32.f32 v1;
	v13 =	vcvt.f32.s32 v13  }
0x197: {  	v16 =	vsel vm0, $0x3F800000, v0;
	v14 =	vcvt.f32.s32 v14;
	v3 =	vtrunc.f32 v5  }
0x198: {  	v5 =	vmul.f32 $9.536752260e-07, v11;
	v6 =	vadd.f32 v16, v6;
	vm1 =	vlt.f32 v12, v2  }
0x199: {  	v35 =	vcvt.f32.s32 v3;
	v3 =	vadd.f32 $1.000000000e+00, v1;
	v16 =	vmul.f32 $9.536752260e-07, v1  }
0x19a: {  	vm0 =	vlt.f32 v5, v4;
	v5 =	vtrunc.f32 v17;
	v17 =	vmul.f32 $9.536752260e-07, v34  }
0x19b: {  	v13 =	vcvt.s32.f32 v13;
	v23 =	vsel vm1, $0x3F800000, v0;
	v12 =	vsel vm0, $0x3F800000, v0  }
0x19c: {  	v5 =	vcvt.f32.s32 v5;
	v11 =	vadd.f32 v11, v12;
	vm0 =	vlt.f32 v17, v4  }
0x19d: {  	s31 =	simm.s32 $0x140C0;
	vm2 =	vlt.f32 v16, v7;
	v4 =	vmul.f32 $9.536752260e-07, v9;
	v12 =	vsel vm0, $0x3F800000, v0  }
0x19e: {  	v16 =	vld [tilespmem:s31+$0xFFFFFFD0];
	v27 =	vmul.f32 $9.536752260e-07, v13;
	v36 =	vsel vm2, $0x3F800000, v0;
	v11 =	vadd.f32 v12, v11  }
0x19f: {  	v12 =	vtrunc.f32 v6;
	vm0 =	vlt.f32 v4, v2;
	v2 =	vmul.f32 $9.536752260e-07, v3  }
0x1a0: {  	v18 =	vadd.f32 v1, v36;
	v4 =	vcvt.s32.f32 v5;
	v5 =	vcvt.s32.f32 v14  }
0x1a1: {  	v1 =	vld [tilespmem:s31+$0xFFFFFFF0];
	v12 =	vcvt.f32.s32 v12;
	v52 =	vsel vm0, $0x3F800000, v0;
	v3 =	vtrunc.f32 v11  }
0x1a2: {  	v6 =	vld [tilespmem:s31+$0xFFFFFFC0];
	v11 =	vadd.f32 $1.000000000e+00, v13;
	v20 =	vmul.f32 $9.536752260e-07, v5;
	v21 =	vadd.f32 $1.000000000e+00, v5  }
0x1a3: {  	v14 =	vld [tilespmem:s31+$0x30];
	v24 =	vadd.f32 $1.000000000e+00, v4;
	v39 =	vmul.f32 $1.048575000e+06, v16;
	v17 =	vcvt.f32.s32 v3  }
0x1a4: {  	v22 =	vld [tilespmem:s31+$0x20];
	v9 =	vadd.f32 v9, v52;
	v3 =	vmul.f32 $9.536752260e-07, v4;
	v37 =	vmul.f32 $9.536752260e-07, v21  }
0x1a5: {  	vm1 =	vlt.f32 v20, v8;
	v11 =	vmul.f32 $9.536752260e-07, v11;
	v40 =	vmul.f32 $9.536752260e-07, v24  }
0x1a6: {  	v42 =	vmul.f32 $1.048575000e+06, v1;
	v48 =	vtrunc.f32 v39;
	v23 =	vadd.f32 v23, v9  }
0x1a7: {  	v38 =	vmul.f32 $1.048575000e+06, v6;
	v25 =	vsel vm1, $0x3F800000, v0;
	vm1 =	vlt.f32 v3, v10  }
0x1a8: {  	v26 =	vmul.f32 $1.048575000e+06, v14;
	v28 =	vsel vm1, $0x3F800000, v0;
	vm1 =	vlt.f32 v2, v7  }
0x1a9: {  	v7 =	vmul.f32 $1.048575000e+06, v22;
	vm2 =	vlt.f32 v37, v8;
	v5 =	vadd.f32 v5, v25  }
0x1aa: {  	v3 =	vld [tilespmem:s31+$0xFFFFFFE0];
	v60 =	vtrunc.f32 v23;
	v4 =	vadd.f32 v4, v28;
	v8 =	vtrunc.f32 v38  }
0x1ab: {  	v20 =	vsel vm2, $0x3F800000, v0;
	v2 =	vtrunc.f32 v26;
	vm2 =	vlt.f32 v11, v15  }
0x1ac: {  	v11 =	vsel vm1, $0x3F800000, v0;
	vm1 =	vlt.f32 v27, v15;
	v27 =	vcvt.f32.s32 v48  }
0x1ad: {  	v2 =	vcvt.f32.s32 v2;
	v11 =	vadd.f32 v11, v18;
	v7 =	vtrunc.f32 v7  }
0x1ae: {  	v20 =	vadd.f32 v20, v5;
	v5 =	vcvt.f32.s32 v8;
	v7 =	vcvt.f32.s32 v7  }
0x1af: {  	v44 =	vsel vm2, $0x3F800000, v0;
	v27 =	vcvt.s32.f32 v27;
	v41 =	vmul.f32 $1.048575000e+06, v3  }
0x1b0: {  	vm2 =	vlt.f32 v40, v10;
	v43 =	vcvt.s32.f32 v2;
	v11 =	vtrunc.f32 v11  }
0x1b1: {  	v45 =	vsel vm1, $0x3F800000, v0;
	v5 =	vcvt.s32.f32 v5;
	v20 =	vtrunc.f32 v20  }
0x1b2: {  	v46 =	vsel vm2, $0x3F800000, v0;
	v7 =	vcvt.s32.f32 v7;
	v11 =	vcvt.f32.s32 v11  }
0x1b3: {  	v13 =	vadd.f32 v13, v45;
	v20 =	vcvt.f32.s32 v20;
	v57 =	vmul.f32 $9.536752260e-07, v27  }
0x1b4: {  	v58 =	vadd.f32 $1.000000000e+00, v27;
	v15 =	vadd.f32 $1.000000000e+00, v43;
	v10 =	vmul.f32 $9.536752260e-07, v43  }
0x1b5: {  	v2 =	vld [tilespmem:s31+$0x10];
	v8 =	vtrunc.f32 v41;
	v54 =	vadd.f32 $1.000000000e+00, v5;
	v63 =	vmul.f32 $9.536752260e-07, v5  }
0x1b6: {  	s25 =	simm.s32 $0x18040;
	v47 =	vmul.f32 $9.536752260e-07, v7;
	v49 =	vadd.f32 $1.000000000e+00, v7;
	v8 =	vcvt.f32.s32 v8  }
0x1b7: {  	[tilespmem:s25+$0x20] =	vst v12;
	v13 =	vadd.f32 v44, v13;
	v12 =	vmul.f32 $9.536752260e-07, v58;
	v15 =	vmul.f32 $9.536752260e-07, v15  }
0x1b8: {  	vm1 =	vlt.f32 v10, v14;
	v26 =	vmul.f32 $9.536752260e-07, v54;
	v55 =	vmul.f32 $9.536752260e-07, v49  }
0x1b9: {  	v10 =	vadd.f32 v46, v4;
	v9 =	vcvt.s32.f32 v8;
	v8 =	vtrunc.f32 v42  }
0x1ba: {  	v4 =	vld [tilespmem:s31+$0x0];
	vm2 =	vlt.f32 v15, v14;
	v14 =	vmul.f32 $1.048575000e+06, v2;
	v15 =	vsel vm1, $0x3F800000, v0  }
0x1bb: {  	vm1 =	vlt.f32 v47, v22;
	v56 =	vtrunc.f32 v10;
	v10 =	vcvt.f32.s32 v8  }
0x1bc: {  	v15 =	vadd.f32 v43, v15;
	v50 =	vsel vm2, $0x3F800000, v0;
	v53 =	vsel vm1, $0x3F800000, v0  }
0x1bd: {  	vm0 =	vlt.f32 v55, v22;
	v59 =	vadd.f32 $1.000000000e+00, v9;
	vm1 =	vlt.f32 v26, v6  }
0x1be: {  	v7 =	vadd.f32 v7, v53;
	v22 =	vsel vm0, $0x3F800000, v0;
	vm0 =	vlt.f32 v57, v16  }
0x1bf: {  	v14 =	vtrunc.f32 v14;
	v51 =	vmul.f32 $1.048575000e+06, v4;
	v15 =	vadd.f32 v50, v15  }
0x1c0: {  	[tilespmem:s25+$0xFFFFFFE0] =	vst v11;
	v11 =	vsel vm0, $0x3F800000, v0;
	v61 =	vcvt.f32.s32 v14;
	v14 =	vmul.f32 $9.536752260e-07, v9  }
0x1c1: {  	[tilespmem:s25+$0xFFFFFFD0] =	vst v17;
	v17 =	vadd.f32 v22, v7;
	v7 =	vtrunc.f32 v13;
	v15 =	vtrunc.f32 v15  }
0x1c2: {  	[tilespmem:s25+$0x30] =	vst v35;
	vm0 =	vlt.f32 v12, v16;
	v21 =	vtrunc.f32 v51;
	v8 =	vcvt.f32.s32 v15  }
0x1c3: {  	s24 =	simm.s32 $0x180C0;
	[tilespmem:s25+$0xFFFFFFF0] =	vst v20;
	v13 =	vcvt.f32.s32 v56;
	v11 =	vadd.f32 v27, v11;
	v21 =	vcvt.f32.s32 v21  }
0x1c4: {  	v12 =	vmul.f32 $9.536752260e-07, v59;
	v62 =	vcvt.f32.s32 v7;
	[tilespmem:s24+$0x30] =	vst v8;
	v8 =	vsel vm0, $0x3F800000, v0  }
0x1c5: {  	[tilespmem:s25+$0x10] =	vst v13;
	v7 =	vcvt.s32.f32 v21;
	v15 =	vadd.f32 v8, v11;
	v8 =	vcvt.f32.s32 v60  }
0x1c6: {  	s28 =	simm.s32 $0x14140;
	s26 =	simm.s32 $0x80;
	v13 =	vtrunc.f32 v17;
	[tilespmem:s25+$0x0] =	vst v62;
	vm0 =	vlt.f32 v63, v6;
	v11 =	vcvt.s32.f32 v61  }
.LBB2_8:
0x1c7: {  	v6 =	vld [tilespmem:s28+$0xFFFFFFC0];
	s26 =	sadd.s32 $0x80, s26;
	v15 =	vtrunc.f32 v15;
	v10 =	vcvt.s32.f32 v10;
	v16 =	vadd.f32 $1.000000000e+00, v7;
	[tilespmem:s25+$0xFFFFFFC0] =	vst v8;
	s25 =	smov.u32 s24;
	s24 =	sadd.s32 $0x80, s24  }
0x1c8: {  	vm2 =	vlt.f32 v14, v3;
	v17 =	vld [tilespmem:s28+$0x30];
	p0 =	slt.u32 s26, $0x1F80;
	v15 =	vcvt.f32.s32 v15;
	v14 =	vmul.f32 $9.536752260e-07, v11  }
0x1c9: {  	v18 =	vsel vm2, $0x3F800000, v0;
	v8 =	vld [tilespmem:s28+$0xFFFFFFD0];
	v19 =	vmul.f32 $9.536752260e-07, v10;
	v20 =	vadd.f32 $1.000000000e+00, v10  }
0x1ca: {  	v22 =	vsel vm1, $0x3F800000, v0;
	v13 =	vcvt.f32.s32 v13;
	v21 =	vld [tilespmem:s28+$0x20];
	[tilespmem:s25+$0xFFFFFFD0] =	vst v15;
	v15 =	vadd.f32 $1.000000000e+00, v11  }
0x1cb: {  	v9 =	vadd.f32 v9, v18;
	v23 =	vld [tilespmem:s28+$0xFFFFFFE0];
	vm1 =	vlt.f32 v19, v1;
	v18 =	vmul.f32 $9.536752260e-07, v20  }
0x1cc: {  	v19 =	vmul.f32 $1.048575000e+06, v6;
	v20 =	vld [tilespmem:s28+$0xFFFFFFF0];
	v24 =	vsel vm1, $0x3F800000, v0;
	vm1 =	vlt.f32 v14, v2  }
0x1cd: {  	v26 =	vmul.f32 $9.536752260e-07, v7;
	v14 =	vld [tilespmem:s28+$0x10];
	v25 =	vmul.f32 $1.048575000e+06, v17;
	v27 =	vsel vm1, $0x3F800000, v0;
	[tilespmem:s25+$0x20] =	vst v13  }
0x1ce: {  	v16 =	vmul.f32 $9.536752260e-07, v16;
	v13 =	vmul.f32 $1.048575000e+06, v8;
	v28 =	vld [tilespmem:s28+$0x0];
	v11 =	vadd.f32 v11, v27  }
0x1cf: {  	vm1 =	vlt.f32 v12, v3;
	vm2 =	vlt.f32 v18, v1;
	v27 =	vmul.f32 $1.048575000e+06, v21  }
0x1d0: {  	v12 =	vtrunc.f32 v19;
	v18 =	vsel vm2, $0x3F800000, v0;
	vm2 =	vlt.f32 v16, v4;
	v3 =	vmovc v23  }
0x1d1: {  	v15 =	vmul.f32 $9.536752260e-07, v15;
	v19 =	vsel vm1, $0x3F800000, v0;
	v16 =	vtrunc.f32 v25;
	v1 =	vmovc v20  }
0x1d2: {  	v9 =	vadd.f32 v19, v9;
	v16 =	vcvt.f32.s32 v16;
	v20 =	vmul.f32 $1.048575000e+06, v3  }
0x1d3: {  	v25 =	vsel vm2, $0x3F800000, v0;
	v23 =	vtrunc.f32 v27;
	v19 =	vmul.f32 $1.048575000e+06, v1  }
0x1d4: {  	v10 =	vadd.f32 v10, v24;
	v9 =	vtrunc.f32 v9;
	v16 =	vcvt.s32.f32 v16  }
0x1d5: {  	vm1 =	vlt.f32 v26, v4;
	vm2 =	vlt.f32 v15, v2;
	v23 =	vcvt.f32.s32 v23;
	v2 =	vmovc v14;
	v4 =	vmovc v28  }
0x1d6: {  	v24 =	vsel vm1, $0x3F800000, v0;
	v14 =	vmul.f32 $9.536752260e-07, v16;
	v15 =	vadd.f32 $1.000000000e+00, v16  }
0x1d7: {  	v26 =	vsel vm2, $0x3F800000, v0;
	v9 =	vcvt.f32.s32 v9;
	v23 =	vcvt.s32.f32 v23  }
0x1d8: {  	v27 =	vmul.f32 $1.048575000e+06, v2;
	vm1 =	vlt.f32 v14, v17;
	v14 =	vmul.f32 $9.536752260e-07, v15  }
0x1d9: {  	v15 =	vmul.f32 $9.536752260e-07, v23;
	v28 =	vsel vm1, $0x3F800000, v0;
	[tilespmem:s25+$0xFFFFFFE0] =	vst v9;
	v9 =	vadd.f32 v26, v11  }
0x1da: {  	vm1 =	vlt.f32 v14, v17;
	v11 =	vtrunc.f32 v13;
	v13 =	vadd.f32 $1.000000000e+00, v23  }
0x1db: {  	v12 =	vcvt.f32.s32 v12;
	v14 =	vtrunc.f32 v20;
	vm2 =	vlt.f32 v15, v21  }
0x1dc: {  	v10 =	vadd.f32 v18, v10;
	v15 =	vadd.f32 v16, v28;
	v16 =	vsel vm1, $0x3F800000, v0  }
0x1dd: {  	v12 =	vcvt.s32.f32 v12;
	v14 =	vcvt.f32.s32 v14;
	v17 =	vsel vm2, $0x3F800000, v0  }
0x1de: {  	v7 =	vadd.f32 v7, v24;
	v18 =	vmul.f32 $1.048575000e+06, v4;
	v20 =	vsel vm0, $0x3F800000, v0  }
0x1df: {  	v11 =	vcvt.f32.s32 v11;
	v15 =	vadd.f32 v16, v15;
	v16 =	vadd.f32 v5, v20;
	v5 =	vmovc v12  }
0x1e0: {  	v10 =	vtrunc.f32 v10;
	v18 =	vtrunc.f32 v18;
	v12 =	vadd.f32 $1.000000000e+00, v5  }
0x1e1: {  	v10 =	vcvt.f32.s32 v10;
	v17 =	vadd.f32 v23, v17;
	v13 =	vmul.f32 $9.536752260e-07, v13  }
0x1e2: {  	v20 =	vtrunc.f32 v9;
	v11 =	vcvt.s32.f32 v11;
	v16 =	vadd.f32 v22, v16  }
0x1e3: {  	v9 =	vcvt.s32.f32 v14;
	v12 =	vmul.f32 $9.536752260e-07, v12;
	vm0 =	vlt.f32 v13, v21;
	[tilespmem:s25+$0xFFFFFFF0] =	vst v10  }
0x1e4: {  	v7 =	vadd.f32 v25, v7;
	v13 =	vtrunc.f32 v15;
	v10 =	vtrunc.f32 v19  }
0x1e5: {  	v15 =	vcvt.f32.s32 v18;
	v14 =	vmul.f32 $9.536752260e-07, v11;
	v18 =	vsel vm0, $0x3F800000, v0  }
0x1e6: {  	v13 =	vcvt.f32.s32 v13;
	v19 =	vadd.f32 $1.000000000e+00, v11;
	v10 =	vcvt.f32.s32 v10  }
0x1e7: {  	v21 =	vadd.f32 $1.000000000e+00, v9;
	v16 =	vtrunc.f32 v16;
	vm0 =	vlt.f32 v14, v8  }
0x1e8: {  	v7 =	vtrunc.f32 v7;
	v17 =	vadd.f32 v18, v17;
	v14 =	vtrunc.f32 v27;
	[tilespmem:s24+$0x30] =	vst v13  }
0x1e9: {  	vm1 =	vlt.f32 v12, v6;
	v12 =	vmul.f32 $9.536752260e-07, v19;
	v13 =	vcvt.f32.s32 v20  }
.Ltmp3:
0x1ea: {  	v18 =	vsel vm0, $0x3F800000, v0;
	v19 =	vcvt.f32.s32 v14;
	v20 =	vcvt.f32.s32 v7;
	(pc) =	sbr.rel @p0 .LBB2_8-.Ltmp3, $4  }
0x1eb: {  	v22 =	vmul.f32 $9.536752260e-07, v5;
	v11 =	vadd.f32 v11, v18;
	vm0 =	vlt.f32 v12, v8;
	[tilespmem:s25+$0x10] =	vst v13  }
0x1ec: {  	v14 =	vmul.f32 $9.536752260e-07, v9;
	v8 =	vsel vm0, $0x3F800000, v0;
	v7 =	vcvt.s32.f32 v15;
	[tilespmem:s25+$0x0] =	vst v20  }
0x1ed: {  	v15 =	vadd.f32 v8, v11;
	v8 =	vcvt.f32.s32 v16;
	v13 =	vtrunc.f32 v17  }
0x1ee: {  	s28 =	sadd.s32 $0x80, s28;
	v12 =	vmul.f32 $9.536752260e-07, v21;
	vm0 =	vlt.f32 v22, v6;
	v11 =	vcvt.s32.f32 v19  }
0x1ef: {  	v6 =	vtrunc.f32 v15  }
0x1f0: {  	v10 =	vcvt.s32.f32 v10;
	v15 =	vadd.f32 $1.000000000e+00, v7;
	vm2 =	vlt.f32 v14, v3  }
0x1f1: {  	v18 =	vsel vm1, $0x3F800000, v0;
	v6 =	vcvt.f32.s32 v6;
	v14 =	vmul.f32 $9.536752260e-07, v11  }
0x1f2: {  	v16 =	vsel vm2, $0x3F800000, v0;
	vm9 =	vlt.f32 v12, v3;
	v3 =	vadd.f32 $1.000000000e+00, v11  }
0x1f3: {  	v17 =	vmul.f32 $9.536752260e-07, v10;
	v9 =	vadd.f32 v9, v16;
	v16 =	vadd.f32 $1.000000000e+00, v10  }
0x1f4: {  	v12 =	vcvt.f32.s32 v13;
	vm11 =	vlt.f32 v14, v2;
	v14 =	vmul.f32 $9.536752260e-07, v15  }
0x1f5: {  	v3 =	vmul.f32 $9.536752260e-07, v3;
	vm10 =	vlt.f32 v17, v1;
	v13 =	vmul.f32 $9.536752260e-07, v16  }
0x1f6: {  	v15 =	vsel vm11, $0x3F800000, v0;
	v16 =	vsel vm10, $0x3F800000, v0;
	vm13 =	vlt.f32 v14, v4  }
0x1f7: {  	v11 =	vadd.f32 v11, v15;
	vm12 =	vlt.f32 v13, v1;
	v1 =	vmul.f32 $9.536752260e-07, v7  }
0x1f8: {  	v14 =	vsel vm9, $0x3F800000, v0;
	vm15 =	vlt.f32 v3, v2;
	v15 =	vsel vm13, $0x3F800000, v0  }
0x1f9: {  	v10 =	vadd.f32 v10, v16;
	v3 =	vsel vm15, $0x3F800000, v0;
	vm14 =	vlt.f32 v1, v4  }
0x1fa: {  	v13 =	vsel vm12, $0x3F800000, v0;
	v1 =	vadd.f32 v14, v9;
	v2 =	vsel vm14, $0x3F800000, v0  }
0x1fb: {  	v4 =	vadd.f32 v13, v10;
	v9 =	vsel vm0, $0x3F800000, v0;
	v2 =	vadd.f32 v7, v2  }
0x1fc: {  	[tilespmem:s25+$0xFFFFFFC0] =	vst v8;
	v3 =	vadd.f32 v3, v11;
	v5 =	vadd.f32 v5, v9;
	v1 =	vtrunc.f32 v1  }
0x1fd: {  	[tilespmem:s24+$0xFFFFFFD0] =	vst v6;
	v4 =	vtrunc.f32 v4;
	v1 =	vcvt.f32.s32 v1;
	v2 =	vadd.f32 v15, v2  }
0x1fe: {  	[tilespmem:s24+$0x20] =	vst v12;
	v3 =	vtrunc.f32 v3;
	v4 =	vcvt.f32.s32 v4;
	v5 =	vadd.f32 v18, v5  }
0x1ff: {  	[tilespmem:s24+$0xFFFFFFE0] =	vst v1;
	v1 =	vtrunc.f32 v2;
	v2 =	vcvt.f32.s32 v3  }
0x200: {  	[tilespmem:s24+$0xFFFFFFF0] =	vst v4;
	v3 =	vtrunc.f32 v5;
	v1 =	vcvt.f32.s32 v1  }
0x201: {  	[tilespmem:s24+$0x10] =	vst v2;
	v2 =	vcvt.f32.s32 v3  }
0x202: {  	[tilespmem:s24+$0x0] =	vst v1  }
0x203: {  	[tilespmem:s24+$0xFFFFFFC0] =	vst v2  }
0x204: {  	_ =	strace $0x90000050  }
0x205: {  	_ =	strace $0x80000051  }
0x206: {  	_ =	swait.ge [sflag:s20], $0x2000  }
0x207: {  	[sflag:s20] =	ssyncset.done $0x0  }
0x208: {  	[sflag:s20] =	ssyncadd.s32 $0xFFFFE000  }
0x209: {  	_ =	strace $0x90000051  }
0x20a: {  	s26 =	simm.s32 $0x1A070;
	_ =	strace $0x80000052  }
0x20b: {  	v1 =	vld [tilespmem:s26+$0x0]  }
0x20c: {  	v2 =	vld [tilespmem:s26+$0xFFFFFF90]  }
0x20d: {  	v3 =	vld [tilespmem:s26+$0xFFFFFFA0]  }
0x20e: {  	s24 =	simm.s32 $0x16070;
	v4 =	vld [tilespmem:s26+$0xFFFFFFB0]  }
0x20f: {  	s25 =	simm.s32 $0x1C040;
	v5 =	vld [tilespmem:s24+$0x0]  }
0x210: {  	v6 =	vld [tilespmem:s25+$0x30]  }
0x211: {  	v7 =	vld [tilespmem:s26+$0xFFFFFFC0]  }
0x212: {  	v8 =	vld [tilespmem:s26+$0xFFFFFFD0]  }
0x213: {  	v9 =	vld [tilespmem:s26+$0xFFFFFFE0]  }
0x214: {  	v10 =	vld [tilespmem:s26+$0xFFFFFFF0]  }
0x215: {  	v11 =	vld [tilespmem:s24+$0xFFFFFFA0];
	v1 =	vcvt.s32.f32 v1  }
0x216: {  	v12 =	vld [tilespmem:s24+$0xFFFFFFB0];
	v2 =	vcvt.s32.f32 v2  }
0x217: {  	v13 =	vld [tilespmem:s24+$0xFFFFFFC0];
	v3 =	vcvt.s32.f32 v3;
	v1 =	vmul.f32 $9.536752260e-07, v1  }
0x218: {  	v15 =	vld [tilespmem:s24+$0xFFFFFFD0];
	v4 =	vcvt.s32.f32 v4  }
0x219: {  	v17 =	vld [tilespmem:s24+$0xFFFFFFE0];
	v16 =	vmul.f32 $9.536752260e-07, v2;
	v2 =	vmul.f32 $9.536752260e-07, v3;
	v1 =	vsub.f32 v5, v1  }
0x21a: {  	v3 =	vmul.f32 $9.536752260e-07, v4;
	v4 =	vshll.u32 v6, $0x10;
	v5 =	vcvt.s32.f32 v7;
	v7 =	vld [tilespmem:s24+$0xFFFFFFF0]  }
0x21b: {  	v1 =	vmul.f32 v4, v1;
	v4 =	vcvt.s32.f32 v8;
	v8 =	vld [tilespmem:s24+$0xFFFFFF90]  }
0x21c: {  	v6 =	vand.u32 $0xFFFF0000, v6;
	v63 =	vmul.f32 $9.536752260e-07, v5;
	v5 =	vcvt.s32.f32 v9;
	v9 =	vld [tilespmem:s25+$0xFFFFFFC0]  }
0x21d: {  	v19 =	vadd.f32 v6, v1;
	v1 =	vmul.f32 $9.536752260e-07, v4;
	v4 =	vcvt.s32.f32 v10;
	v10 =	vld [tilespmem:s25+$0xFFFFFFD0]  }
0x21e: {  	v14 =	vld [tilespmem:s25+$0xFFFFFFE0];
	v6 =	vsub.f32 v11, v2;
	v2 =	vmul.f32 $9.536752260e-07, v5;
	v5 =	vsub.f32 v12, v3  }
0x21f: {  	v12 =	vmul.f32 $9.536752260e-07, v4;
	v4 =	vsub.f32 v13, v63;
	v3 =	vsub.f32 v15, v1;
	v13 =	vld [tilespmem:s25+$0xFFFFFFF0]  }
0x220: {  	v11 =	vld [tilespmem:s25+$0x0];
	v2 =	vsub.f32 v17, v2;
	v15 =	vsub.f32 v8, v16  }
0x221: {  	s26 =	simm.s32 $0x12070;
	v8 =	vld [tilespmem:s25+$0x10];
	v1 =	vsub.f32 v7, v12;
	v7 =	vand.u32 $0xFFFF0000, v9;
	v9 =	vshll.u32 v9, $0x10  }
0x222: {  	s28 =	simm.s32 $0x0;
	s29 =	simm.s32 $0x1A0F0;
	[tilespmem:s26+$0x0] =	vst v19;
	v12 =	vmul.f32 v9, v15;
	v9 =	vand.u32 $0xFFFF0000, v10;
	v15 =	vshll.u32 v10, $0x10;
	v10 =	vld [tilespmem:s25+$0x20]  }
.LBB2_10:
0x223: {  	v16 =	vld [tilespmem:s29+$0x0];
	s28 =	sadd.s32 $0x80, s28;
	v6 =	vmul.f32 v15, v6;
	v15 =	vand.u32 $0xFFFF0000, v14;
	v14 =	vshll.u32 v14, $0x10  }
0x224: {  	v17 =	vld [tilespmem:s29+$0xFFFFFF90];
	p0 =	slt.u32 s28, $0x1F80;
	v5 =	vmul.f32 v14, v5;
	v14 =	vand.u32 $0xFFFF0000, v13;
	v13 =	vshll.u32 v13, $0x10  }
0x225: {  	v18 =	vld [tilespmem:s29+$0xFFFFFFA0];
	v4 =	vmul.f32 v13, v4;
	v13 =	vand.u32 $0xFFFF0000, v11;
	v11 =	vshll.u32 v11, $0x10  }
0x226: {  	s24 =	sadd.s32 $0x80, s24;
	v19 =	vld [tilespmem:s29+$0xFFFFFFB0];
	v3 =	vmul.f32 v11, v3;
	v11 =	vand.u32 $0xFFFF0000, v8;
	v8 =	vshll.u32 v8, $0x10  }
0x227: {  	s25 =	sadd.s32 $0x80, s25;
	v20 =	vld [tilespmem:s24+$0x0];
	v2 =	vmul.f32 v8, v2;
	v8 =	vand.u32 $0xFFFF0000, v10;
	v10 =	vshll.u32 v10, $0x10  }
0x228: {  	v7 =	vadd.f32 v7, v12;
	v21 =	vld [tilespmem:s25+$0x30];
	v16 =	vcvt.s32.f32 v16;
	v1 =	vmul.f32 v10, v1  }
0x229: {  	v6 =	vadd.f32 v9, v6;
	v5 =	vadd.f32 v15, v5;
	v10 =	vcvt.s32.f32 v17;
	v12 =	vld [tilespmem:s29+$0xFFFFFFC0]  }
0x22a: {  	v4 =	vadd.f32 v14, v4;
	v9 =	vcvt.s32.f32 v18;
	v15 =	vld [tilespmem:s29+$0xFFFFFFD0];
	v16 =	vmul.f32 $9.536752260e-07, v16;
	[tilespmem:s26+$0xFFFFFF90] =	vst v7  }
0x22b: {  	v3 =	vadd.f32 v13, v3;
	v7 =	vmul.f32 $9.536752260e-07, v10;
	v10 =	vcvt.s32.f32 v19;
	v14 =	vld [tilespmem:s29+$0xFFFFFFE0];
	[tilespmem:s26+$0xFFFFFFA0] =	vst v6  }
0x22c: {  	v2 =	vadd.f32 v11, v2;
	v6 =	vmul.f32 $9.536752260e-07, v9;
	v9 =	vld [tilespmem:s29+$0xFFFFFFF0];
	v13 =	vsub.f32 v20, v16;
	[tilespmem:s26+$0xFFFFFFB0] =	vst v5  }
0x22d: {  	v1 =	vadd.f32 v8, v1;
	v5 =	vld [tilespmem:s24+$0xFFFFFFA0];
	v10 =	vmul.f32 $9.536752260e-07, v10;
	v11 =	vshll.u32 v21, $0x10;
	[tilespmem:s26+$0xFFFFFFC0] =	vst v4  }
0x22e: {  	v4 =	vld [tilespmem:s24+$0xFFFFFFB0];
	v8 =	vcvt.s32.f32 v12;
	v11 =	vmul.f32 v11, v13;
	[tilespmem:s26+$0xFFFFFFD0] =	vst v3  }
0x22f: {  	v13 =	vand.u32 $0xFFFF0000, v21;
	v3 =	vld [tilespmem:s24+$0xFFFFFFC0];
	v12 =	vcvt.s32.f32 v15;
	[tilespmem:s26+$0xFFFFFFE0] =	vst v2  }
0x230: {  	v2 =	vmul.f32 $9.536752260e-07, v8;
	v8 =	vld [tilespmem:s24+$0xFFFFFFD0];
	v14 =	vcvt.s32.f32 v14;
	v11 =	vadd.f32 v13, v11;
	[tilespmem:s26+$0xFFFFFFF0] =	vst v1  }
0x231: {  	s26 =	sadd.s32 $0x80, s26;
	v1 =	vmul.f32 $9.536752260e-07, v12;
	v12 =	vld [tilespmem:s24+$0xFFFFFFE0];
	v9 =	vcvt.s32.f32 v9  }
0x232: {  	v6 =	vsub.f32 v5, v6;
	v13 =	vmul.f32 $9.536752260e-07, v14;
	v15 =	vld [tilespmem:s24+$0xFFFFFFF0];
	[tilespmem:s26+$0x0] =	vst v11  }
0x233: {  	v11 =	vld [tilespmem:s24+$0xFFFFFF90];
	v5 =	vsub.f32 v4, v10;
	v9 =	vmul.f32 $9.536752260e-07, v9  }
0x234: {  	v10 =	vld [tilespmem:s25+$0xFFFFFFC0];
	v4 =	vsub.f32 v3, v2  }
0x235: {  	v16 =	vld [tilespmem:s25+$0xFFFFFFD0];
	v3 =	vsub.f32 v8, v1  }
.Ltmp4:
0x236: {  	v14 =	vld [tilespmem:s25+$0xFFFFFFE0];
	v2 =	vsub.f32 v12, v13;
	(pc) =	sbr.rel @p0 .LBB2_10-.Ltmp4, $4  }
0x237: {  	v13 =	vld [tilespmem:s25+$0xFFFFFFF0];
	v1 =	vsub.f32 v15, v9  }
0x238: {  	v9 =	vsub.f32 v11, v7;
	v11 =	vld [tilespmem:s25+$0x0]  }
0x239: {  	v7 =	vand.u32 $0xFFFF0000, v10;
	v10 =	vshll.u32 v10, $0x10;
	v8 =	vld [tilespmem:s25+$0x10]  }
0x23a: {  	s29 =	sadd.s32 $0x80, s29;
	v12 =	vmul.f32 v10, v9;
	v9 =	vand.u32 $0xFFFF0000, v16;
	v15 =	vshll.u32 v16, $0x10;
	v10 =	vld [tilespmem:s25+$0x20]  }
0x23b: {  	v6 =	vmul.f32 v15, v6;
	v15 =	vshll.u32 v14, $0x10  }
0x23c: {  	v14 =	vand.u32 $0xFFFF0000, v14;
	v5 =	vmul.f32 v15, v5;
	v15 =	vshll.u32 v13, $0x10  }
0x23d: {  	v13 =	vand.u32 $0xFFFF0000, v13;
	v7 =	vadd.f32 v7, v12;
	v4 =	vmul.f32 v15, v4  }
0x23e: {  	v12 =	vand.u32 $0xFFFF0000, v11;
	v11 =	vshll.u32 v11, $0x10;
	v6 =	vadd.f32 v9, v6  }
0x23f: {  	v3 =	vmul.f32 v11, v3;
	v9 =	vshll.u32 v8, $0x10;
	v5 =	vadd.f32 v14, v5;
	[tilespmem:s26+$0xFFFFFF90] =	vst v7  }
0x240: {  	v2 =	vmul.f32 v9, v2;
	v7 =	vshll.u32 v10, $0x10;
	v4 =	vadd.f32 v13, v4;
	[tilespmem:s26+$0xFFFFFFA0] =	vst v6  }
0x241: {  	v6 =	vand.u32 $0xFFFF0000, v8;
	v1 =	vmul.f32 v7, v1;
	v3 =	vadd.f32 v12, v3;
	[tilespmem:s26+$0xFFFFFFB0] =	vst v5  }
0x242: {  	v5 =	vand.u32 $0xFFFF0000, v10;
	v2 =	vadd.f32 v6, v2;
	[tilespmem:s26+$0xFFFFFFC0] =	vst v4  }
0x243: {  	v1 =	vadd.f32 v5, v1;
	[tilespmem:s26+$0xFFFFFFD0] =	vst v3  }
0x244: {  	[tilespmem:s26+$0xFFFFFFE0] =	vst v2  }
0x245: {  	[tilespmem:s26+$0xFFFFFFF0] =	vst v1  }
0x246: {  	_ =	strace $0x90000052  }
0x247: {  	[tilespmem:s18], [sflag:$0x1] =	stream.indirect.gather [spmem:s1], $0x1, s17, s16, $0xb8;
	[tilespmem:$0x1E000] =	vst v63  }
0x248: {  	_ =	strace $0x80000053  }
0x249: {  	[tilespmem:s19], [sflag:$0x3] =	stream.linear.gather [hbm4b:s9+s2], $0x2000, $0x200038;
	[tilespmem:$0x1E000] =	vst v63  }
0x24a: {  	_ =	swait.ge [sflag:s14], $0x2000  }
0x24b: {  	[sflag:s14] =	ssyncset.done $0x0  }
0x24c: {  	[sflag:s14] =	ssyncadd.s32 $0xFFFFE000  }
0x24d: {  	_ =	strace $0x90000053  }
0x24e: {  	s24 =	simm.s32 $0x16070;
	_ =	strace $0x80000054  }
0x24f: {  	v1 =	vld [tilespmem:s24+$0x0]  }
0x250: {  	v2 =	vld [tilespmem:s24+$0xFFFFFF90]  }
0x251: {  	v3 =	vld [tilespmem:s24+$0xFFFFFFF0]  }
0x252: {  	v4 =	vld [tilespmem:s24+$0xFFFFFFA0]  }
0x253: {  	v7 =	vld [tilespmem:s24+$0xFFFFFFB0]  }
0x254: {  	v8 =	vld [tilespmem:s24+$0xFFFFFFC0];
	_ =	sdelay $0x1  }
0x255: {  	v5 =	vmul.f32 $1.048575000e+06, v1  }
0x256: {  	v6 =	vmul.f32 $1.048575000e+06, v3;
	v9 =	vmul.f32 $1.048575000e+06, v2  }
0x257: {  	v11 =	vmul.f32 $1.048575000e+06, v4;
	v12 =	vmul.f32 $1.048575000e+06, v7  }
0x258: {  	v16 =	vmul.f32 $1.048575000e+06, v8;
	v5 =	vtrunc.f32 v5  }
0x259: {  	v10 =	vld [tilespmem:s24+$0xFFFFFFE0];
	v6 =	vtrunc.f32 v6;
	v5 =	vcvt.f32.s32 v5  }
0x25a: {  	v9 =	vtrunc.f32 v9;
	v6 =	vcvt.f32.s32 v6  }
0x25b: {  	v11 =	vtrunc.f32 v11;
	v5 =	vcvt.s32.f32 v5  }
0x25c: {  	v11 =	vcvt.f32.s32 v11;
	v6 =	vcvt.s32.f32 v6  }
0x25d: {  	v15 =	vld [tilespmem:s24+$0xFFFFFFD0];
	v9 =	vcvt.f32.s32 v9;
	v13 =	vmul.f32 $9.536752260e-07, v5;
	v14 =	vadd.f32 $1.000000000e+00, v5  }
0x25e: {  	v17 =	vmul.f32 $1.048575000e+06, v10;
	v11 =	vcvt.s32.f32 v11;
	v19 =	vadd.f32 $1.000000000e+00, v6  }
0x25f: {  	v9 =	vcvt.s32.f32 v9;
	vm0 =	vlt.f32 v13, v1;
	v13 =	vmul.f32 $9.536752260e-07, v14  }
0x260: {  	v34 =	vadd.f32 $1.000000000e+00, v11;
	v14 =	vmul.f32 $9.536752260e-07, v6;
	v19 =	vmul.f32 $9.536752260e-07, v19  }
0x261: {  	v18 =	vsel vm0, $0x3F800000, v0;
	vm0 =	vlt.f32 v13, v1;
	v1 =	vtrunc.f32 v12  }
0x262: {  	vm1 =	vlt.f32 v14, v3;
	v5 =	vadd.f32 v5, v18;
	v13 =	vmul.f32 $1.048575000e+06, v15  }
0x263: {  	v14 =	vadd.f32 $1.000000000e+00, v9;
	v12 =	vsel vm0, $0x3F800000, v0;
	v1 =	vcvt.f32.s32 v1  }
0x264: {  	v33 =	vsel vm1, $0x3F800000, v0;
	vm0 =	vlt.f32 v19, v3;
	v13 =	vtrunc.f32 v13  }
0x265: {  	v5 =	vadd.f32 v12, v5;
	v12 =	vmul.f32 $9.536752260e-07, v14;
	v14 =	vtrunc.f32 v16  }
0x266: {  	v6 =	vadd.f32 v6, v33;
	v1 =	vcvt.s32.f32 v1;
	v13 =	vcvt.f32.s32 v13  }
0x267: {  	v16 =	vsel vm0, $0x3F800000, v0;
	v14 =	vcvt.f32.s32 v14;
	v3 =	vtrunc.f32 v5  }
0x268: {  	v5 =	vmul.f32 $9.536752260e-07, v11;
	v6 =	vadd.f32 v16, v6;
	vm1 =	vlt.f32 v12, v2  }
0x269: {  	v35 =	vcvt.f32.s32 v3;
	v3 =	vadd.f32 $1.000000000e+00, v1;
	v16 =	vmul.f32 $9.536752260e-07, v1  }
0x26a: {  	v13 =	vcvt.s32.f32 v13;
	v23 =	vsel vm1, $0x3F800000, v0;
	vm0 =	vlt.f32 v5, v4  }
0x26b: {  	v5 =	vtrunc.f32 v17;
	v17 =	vmul.f32 $9.536752260e-07, v34;
	v12 =	vsel vm0, $0x3F800000, v0  }
0x26c: {  	v5 =	vcvt.f32.s32 v5;
	v3 =	vmul.f32 $9.536752260e-07, v3;
	vm2 =	vlt.f32 v16, v7  }
0x26d: {  	s31 =	simm.s32 $0x160F0;
	v27 =	vmul.f32 $9.536752260e-07, v13;
	v11 =	vadd.f32 v11, v12;
	vm0 =	vlt.f32 v17, v4  }
0x26e: {  	v16 =	vld [tilespmem:s31+$0xFFFFFFA0];
	v4 =	vmul.f32 $9.536752260e-07, v9;
	v36 =	vsel vm2, $0x3F800000, v0;
	v12 =	vsel vm0, $0x3F800000, v0  }
0x26f: {  	v18 =	vadd.f32 v1, v36;
	v11 =	vadd.f32 v12, v11;
	v12 =	vtrunc.f32 v6  }
0x270: {  	vm0 =	vlt.f32 v4, v2;
	v4 =	vcvt.s32.f32 v5;
	v5 =	vcvt.s32.f32 v14  }
0x271: {  	v1 =	vld [tilespmem:s31+$0xFFFFFFB0];
	v12 =	vcvt.f32.s32 v12;
	v52 =	vsel vm0, $0x3F800000, v0;
	v2 =	vtrunc.f32 v11  }
0x272: {  	v6 =	vld [tilespmem:s31+$0xFFFFFF90];
	v11 =	vadd.f32 $1.000000000e+00, v13;
	v20 =	vmul.f32 $9.536752260e-07, v5;
	v21 =	vadd.f32 $1.000000000e+00, v5  }
0x273: {  	v14 =	vld [tilespmem:s31+$0x0];
	v24 =	vadd.f32 $1.000000000e+00, v4;
	v39 =	vmul.f32 $1.048575000e+06, v16;
	v17 =	vcvt.f32.s32 v2  }
0x274: {  	v22 =	vld [tilespmem:s31+$0xFFFFFFF0];
	v9 =	vadd.f32 v9, v52;
	v2 =	vmul.f32 $9.536752260e-07, v4;
	v37 =	vmul.f32 $9.536752260e-07, v21  }
0x275: {  	vm1 =	vlt.f32 v20, v8;
	v11 =	vmul.f32 $9.536752260e-07, v11;
	v40 =	vmul.f32 $9.536752260e-07, v24  }
0x276: {  	v41 =	vmul.f32 $1.048575000e+06, v1;
	v48 =	vtrunc.f32 v39;
	v23 =	vadd.f32 v23, v9  }
0x277: {  	v38 =	vmul.f32 $1.048575000e+06, v6;
	v25 =	vsel vm1, $0x3F800000, v0;
	vm1 =	vlt.f32 v2, v10  }
0x278: {  	v26 =	vmul.f32 $1.048575000e+06, v14;
	v28 =	vsel vm1, $0x3F800000, v0;
	vm1 =	vlt.f32 v3, v7  }
0x279: {  	v7 =	vmul.f32 $1.048575000e+06, v22;
	vm2 =	vlt.f32 v37, v8;
	v5 =	vadd.f32 v5, v25  }
0x27a: {  	v60 =	vtrunc.f32 v23;
	v4 =	vadd.f32 v4, v28;
	v8 =	vtrunc.f32 v38  }
0x27b: {  	v2 =	vld [tilespmem:s31+$0xFFFFFFC0];
	v20 =	vsel vm2, $0x3F800000, v0;
	v3 =	vtrunc.f32 v26;
	vm2 =	vlt.f32 v11, v15  }
0x27c: {  	v11 =	vsel vm1, $0x3F800000, v0;
	vm1 =	vlt.f32 v27, v15;
	v27 =	vcvt.f32.s32 v48  }
0x27d: {  	v3 =	vcvt.f32.s32 v3;
	v11 =	vadd.f32 v11, v18;
	v7 =	vtrunc.f32 v7  }
0x27e: {  	v20 =	vadd.f32 v20, v5;
	v5 =	vcvt.f32.s32 v8;
	v8 =	vtrunc.f32 v41  }
0x27f: {  	v44 =	vsel vm2, $0x3F800000, v0;
	v7 =	vcvt.f32.s32 v7;
	v8 =	vcvt.f32.s32 v8  }
0x280: {  	vm2 =	vlt.f32 v40, v10;
	v27 =	vcvt.s32.f32 v27;
	v42 =	vmul.f32 $1.048575000e+06, v2  }
0x281: {  	v45 =	vsel vm1, $0x3F800000, v0;
	v43 =	vcvt.s32.f32 v3;
	v11 =	vtrunc.f32 v11  }
0x282: {  	v13 =	vadd.f32 v13, v45;
	v5 =	vcvt.s32.f32 v5;
	v20 =	vtrunc.f32 v20  }
0x283: {  	v46 =	vsel vm2, $0x3F800000, v0;
	v7 =	vcvt.s32.f32 v7;
	v11 =	vcvt.f32.s32 v11  }
0x284: {  	v20 =	vcvt.f32.s32 v20;
	v9 =	vcvt.s32.f32 v8;
	v13 =	vadd.f32 v44, v13  }
0x285: {  	v3 =	vld [tilespmem:s31+$0xFFFFFFE0];
	v57 =	vmul.f32 $9.536752260e-07, v27;
	v58 =	vadd.f32 $1.000000000e+00, v27;
	v15 =	vadd.f32 $1.000000000e+00, v43  }
0x286: {  	v10 =	vmul.f32 $9.536752260e-07, v43;
	v54 =	vadd.f32 $1.000000000e+00, v5;
	v8 =	vtrunc.f32 v42  }
0x287: {  	s25 =	simm.s32 $0x1A070;
	v63 =	vmul.f32 $9.536752260e-07, v5;
	v47 =	vmul.f32 $9.536752260e-07, v7;
	v49 =	vadd.f32 $1.000000000e+00, v7  }
0x288: {  	[tilespmem:s25+$0xFFFFFFF0] =	vst v12;
	v59 =	vadd.f32 $1.000000000e+00, v9;
	v12 =	vmul.f32 $9.536752260e-07, v58;
	v15 =	vmul.f32 $9.536752260e-07, v15  }
0x289: {  	vm1 =	vlt.f32 v10, v14;
	v10 =	vadd.f32 v46, v4;
	v26 =	vmul.f32 $9.536752260e-07, v54  }
0x28a: {  	v4 =	vld [tilespmem:s31+$0xFFFFFFD0];
	v55 =	vmul.f32 $9.536752260e-07, v49;
	vm2 =	vlt.f32 v15, v14;
	v14 =	vmul.f32 $1.048575000e+06, v3  }
0x28b: {  	v15 =	vsel vm1, $0x3F800000, v0;
	vm1 =	vlt.f32 v47, v22;
	v56 =	vtrunc.f32 v10  }
0x28c: {  	v10 =	vcvt.f32.s32 v8;
	v15 =	vadd.f32 v43, v15;
	v50 =	vsel vm2, $0x3F800000, v0  }
0x28d: {  	v53 =	vsel vm1, $0x3F800000, v0;
	vm0 =	vlt.f32 v55, v22;
	vm1 =	vlt.f32 v26, v6  }
0x28e: {  	v7 =	vadd.f32 v7, v53;
	v22 =	vsel vm0, $0x3F800000, v0;
	vm0 =	vlt.f32 v57, v16  }
0x28f: {  	v14 =	vtrunc.f32 v14;
	v51 =	vmul.f32 $1.048575000e+06, v4;
	v15 =	vadd.f32 v50, v15  }
0x290: {  	[tilespmem:s25+$0xFFFFFFB0] =	vst v11;
	v11 =	vsel vm0, $0x3F800000, v0;
	v61 =	vcvt.f32.s32 v14;
	v14 =	vmul.f32 $9.536752260e-07, v9  }
0x291: {  	[tilespmem:s25+$0xFFFFFFA0] =	vst v17;
	v17 =	vadd.f32 v22, v7;
	v7 =	vtrunc.f32 v13;
	v15 =	vtrunc.f32 v15  }
0x292: {  	[tilespmem:s25+$0x0] =	vst v35;
	vm0 =	vlt.f32 v12, v16;
	v21 =	vtrunc.f32 v51;
	v8 =	vcvt.f32.s32 v15  }
0x293: {  	s24 =	simm.s32 $0x1A0F0;
	[tilespmem:s25+$0xFFFFFFC0] =	vst v20;
	v13 =	vcvt.f32.s32 v56;
	v11 =	vadd.f32 v27, v11;
	v21 =	vcvt.f32.s32 v21  }
0x294: {  	v12 =	vmul.f32 $9.536752260e-07, v59;
	v62 =	vcvt.f32.s32 v7;
	[tilespmem:s24+$0x0] =	vst v8;
	v8 =	vsel vm0, $0x3F800000, v0  }
0x295: {  	[tilespmem:s25+$0xFFFFFFE0] =	vst v13;
	v7 =	vcvt.s32.f32 v21;
	v15 =	vadd.f32 v8, v11;
	v8 =	vcvt.f32.s32 v60  }
0x296: {  	s28 =	simm.s32 $0x16170;
	s26 =	simm.s32 $0x80;
	v13 =	vtrunc.f32 v17;
	[tilespmem:s25+$0xFFFFFFD0] =	vst v62;
	vm0 =	vlt.f32 v63, v6;
	v11 =	vcvt.s32.f32 v61  }
.LBB2_12:
0x297: {  	v6 =	vld [tilespmem:s28+$0xFFFFFF90];
	s26 =	sadd.s32 $0x80, s26;
	v15 =	vtrunc.f32 v15;
	v10 =	vcvt.s32.f32 v10;
	v16 =	vadd.f32 $1.000000000e+00, v7;
	[tilespmem:s25+$0xFFFFFF90] =	vst v8;
	s25 =	smov.u32 s24;
	s24 =	sadd.s32 $0x80, s24  }
0x298: {  	vm2 =	vlt.f32 v14, v1;
	v17 =	vld [tilespmem:s28+$0x0];
	p0 =	slt.u32 s26, $0x1F80;
	v15 =	vcvt.f32.s32 v15;
	v14 =	vmul.f32 $9.536752260e-07, v11  }
0x299: {  	v18 =	vsel vm2, $0x3F800000, v0;
	v8 =	vld [tilespmem:s28+$0xFFFFFFA0];
	v19 =	vmul.f32 $9.536752260e-07, v10;
	v20 =	vadd.f32 $1.000000000e+00, v10  }
0x29a: {  	v22 =	vsel vm1, $0x3F800000, v0;
	v13 =	vcvt.f32.s32 v13;
	v21 =	vld [tilespmem:s28+$0xFFFFFFF0];
	[tilespmem:s25+$0xFFFFFFA0] =	vst v15;
	v15 =	vadd.f32 $1.000000000e+00, v11  }
0x29b: {  	v9 =	vadd.f32 v9, v18;
	v23 =	vld [tilespmem:s28+$0xFFFFFFB0];
	vm1 =	vlt.f32 v19, v2;
	v18 =	vmul.f32 $9.536752260e-07, v20  }
0x29c: {  	v19 =	vmul.f32 $1.048575000e+06, v6;
	v20 =	vld [tilespmem:s28+$0xFFFFFFC0];
	v24 =	vsel vm1, $0x3F800000, v0;
	vm1 =	vlt.f32 v14, v3  }
0x29d: {  	v26 =	vmul.f32 $9.536752260e-07, v7;
	v14 =	vld [tilespmem:s28+$0xFFFFFFE0];
	v25 =	vmul.f32 $1.048575000e+06, v17;
	v27 =	vsel vm1, $0x3F800000, v0;
	[tilespmem:s25+$0xFFFFFFF0] =	vst v13  }
0x29e: {  	v16 =	vmul.f32 $9.536752260e-07, v16;
	v13 =	vmul.f32 $1.048575000e+06, v8;
	v28 =	vld [tilespmem:s28+$0xFFFFFFD0];
	v11 =	vadd.f32 v11, v27  }
0x29f: {  	vm1 =	vlt.f32 v12, v1;
	vm2 =	vlt.f32 v18, v2;
	v27 =	vmul.f32 $1.048575000e+06, v21  }
0x2a0: {  	v12 =	vtrunc.f32 v19;
	v18 =	vsel vm2, $0x3F800000, v0;
	vm2 =	vlt.f32 v16, v4;
	v1 =	vmovc v23  }
0x2a1: {  	v15 =	vmul.f32 $9.536752260e-07, v15;
	v19 =	vsel vm1, $0x3F800000, v0;
	v16 =	vtrunc.f32 v25;
	v2 =	vmovc v20  }
0x2a2: {  	v9 =	vadd.f32 v19, v9;
	v16 =	vcvt.f32.s32 v16;
	v20 =	vmul.f32 $1.048575000e+06, v1  }
0x2a3: {  	v25 =	vsel vm2, $0x3F800000, v0;
	v23 =	vtrunc.f32 v27;
	v19 =	vmul.f32 $1.048575000e+06, v2  }
0x2a4: {  	v10 =	vadd.f32 v10, v24;
	v9 =	vtrunc.f32 v9;
	v16 =	vcvt.s32.f32 v16  }
0x2a5: {  	vm1 =	vlt.f32 v26, v4;
	vm2 =	vlt.f32 v15, v3;
	v23 =	vcvt.f32.s32 v23;
	v3 =	vmovc v14;
	v4 =	vmovc v28  }
0x2a6: {  	v24 =	vsel vm1, $0x3F800000, v0;
	v14 =	vmul.f32 $9.536752260e-07, v16;
	v15 =	vadd.f32 $1.000000000e+00, v16  }
0x2a7: {  	v26 =	vsel vm2, $0x3F800000, v0;
	v9 =	vcvt.f32.s32 v9;
	v23 =	vcvt.s32.f32 v23  }
0x2a8: {  	v27 =	vmul.f32 $1.048575000e+06, v3;
	vm1 =	vlt.f32 v14, v17;
	v14 =	vmul.f32 $9.536752260e-07, v15  }
0x2a9: {  	v15 =	vmul.f32 $9.536752260e-07, v23;
	v28 =	vsel vm1, $0x3F800000, v0;
	[tilespmem:s25+$0xFFFFFFB0] =	vst v9;
	v9 =	vadd.f32 v26, v11  }
0x2aa: {  	vm1 =	vlt.f32 v14, v17;
	v11 =	vtrunc.f32 v13;
	v13 =	vadd.f32 $1.000000000e+00, v23  }
0x2ab: {  	v12 =	vcvt.f32.s32 v12;
	v14 =	vtrunc.f32 v20;
	vm2 =	vlt.f32 v15, v21  }
0x2ac: {  	v10 =	vadd.f32 v18, v10;
	v15 =	vadd.f32 v16, v28;
	v16 =	vsel vm1, $0x3F800000, v0  }
0x2ad: {  	v12 =	vcvt.s32.f32 v12;
	v14 =	vcvt.f32.s32 v14;
	v17 =	vsel vm2, $0x3F800000, v0  }
0x2ae: {  	v7 =	vadd.f32 v7, v24;
	v18 =	vmul.f32 $1.048575000e+06, v4;
	v20 =	vsel vm0, $0x3F800000, v0  }
0x2af: {  	v11 =	vcvt.f32.s32 v11;
	v15 =	vadd.f32 v16, v15;
	v16 =	vadd.f32 v5, v20;
	v5 =	vmovc v12  }
0x2b0: {  	v10 =	vtrunc.f32 v10;
	v18 =	vtrunc.f32 v18;
	v12 =	vadd.f32 $1.000000000e+00, v5  }
0x2b1: {  	v10 =	vcvt.f32.s32 v10;
	v17 =	vadd.f32 v23, v17;
	v13 =	vmul.f32 $9.536752260e-07, v13  }
0x2b2: {  	v20 =	vtrunc.f32 v9;
	v11 =	vcvt.s32.f32 v11;
	v16 =	vadd.f32 v22, v16  }
0x2b3: {  	v9 =	vcvt.s32.f32 v14;
	v12 =	vmul.f32 $9.536752260e-07, v12;
	vm0 =	vlt.f32 v13, v21;
	[tilespmem:s25+$0xFFFFFFC0] =	vst v10  }
0x2b4: {  	v7 =	vadd.f32 v25, v7;
	v13 =	vtrunc.f32 v15;
	v10 =	vtrunc.f32 v19  }
0x2b5: {  	v15 =	vcvt.f32.s32 v18;
	v14 =	vmul.f32 $9.536752260e-07, v11;
	v18 =	vsel vm0, $0x3F800000, v0  }
0x2b6: {  	v13 =	vcvt.f32.s32 v13;
	v19 =	vadd.f32 $1.000000000e+00, v11;
	v10 =	vcvt.f32.s32 v10  }
0x2b7: {  	v21 =	vadd.f32 $1.000000000e+00, v9;
	v16 =	vtrunc.f32 v16;
	vm0 =	vlt.f32 v14, v8  }
0x2b8: {  	v7 =	vtrunc.f32 v7;
	v17 =	vadd.f32 v18, v17;
	v14 =	vtrunc.f32 v27;
	[tilespmem:s24+$0x0] =	vst v13  }
0x2b9: {  	vm1 =	vlt.f32 v12, v6;
	v12 =	vmul.f32 $9.536752260e-07, v19;
	v13 =	vcvt.f32.s32 v20  }
.Ltmp5:
0x2ba: {  	v18 =	vsel vm0, $0x3F800000, v0;
	v19 =	vcvt.f32.s32 v14;
	v20 =	vcvt.f32.s32 v7;
	(pc) =	sbr.rel @p0 .LBB2_12-.Ltmp5, $4  }
0x2bb: {  	v22 =	vmul.f32 $9.536752260e-07, v5;
	v11 =	vadd.f32 v11, v18;
	vm0 =	vlt.f32 v12, v8;
	[tilespmem:s25+$0xFFFFFFE0] =	vst v13  }
0x2bc: {  	v14 =	vmul.f32 $9.536752260e-07, v9;
	v8 =	vsel vm0, $0x3F800000, v0;
	v7 =	vcvt.s32.f32 v15;
	[tilespmem:s25+$0xFFFFFFD0] =	vst v20  }
0x2bd: {  	v15 =	vadd.f32 v8, v11;
	v8 =	vcvt.f32.s32 v16;
	v13 =	vtrunc.f32 v17  }
0x2be: {  	s28 =	sadd.s32 $0x80, s28;
	v12 =	vmul.f32 $9.536752260e-07, v21;
	vm0 =	vlt.f32 v22, v6;
	v11 =	vcvt.s32.f32 v19  }
0x2bf: {  	v6 =	vtrunc.f32 v15  }
0x2c0: {  	v10 =	vcvt.s32.f32 v10;
	v15 =	vadd.f32 $1.000000000e+00, v7;
	vm2 =	vlt.f32 v14, v1  }
0x2c1: {  	v19 =	vsel vm1, $0x3F800000, v0;
	v13 =	vcvt.f32.s32 v13;
	v6 =	vcvt.f32.s32 v6  }
0x2c2: {  	v14 =	vmul.f32 $9.536752260e-07, v11;
	v17 =	vsel vm2, $0x3F800000, v0;
	vm11 =	vlt.f32 v12, v1  }
0x2c3: {  	v1 =	vmul.f32 $9.536752260e-07, v7;
	v16 =	vmul.f32 $9.536752260e-07, v10;
	v18 =	vadd.f32 $1.000000000e+00, v10  }
0x2c4: {  	v9 =	vadd.f32 v9, v17;
	v17 =	vadd.f32 $1.000000000e+00, v11;
	vm10 =	vlt.f32 v14, v3  }
0x2c5: {  	v14 =	vmul.f32 $9.536752260e-07, v15;
	vm14 =	vlt.f32 v1, v4;
	vm9 =	vlt.f32 v16, v2  }
0x2c6: {  	v16 =	vmul.f32 $9.536752260e-07, v18;
	v12 =	vsel vm10, $0x3F800000, v0;
	v18 =	vsel vm9, $0x3F800000, v0  }
0x2c7: {  	vm13 =	vlt.f32 v14, v4;
	v14 =	vmul.f32 $9.536752260e-07, v17;
	v11 =	vadd.f32 v11, v12  }
0x2c8: {  	v12 =	vsel vm11, $0x3F800000, v0;
	vm12 =	vlt.f32 v16, v2;
	v15 =	vsel vm13, $0x3F800000, v0  }
0x2c9: {  	v10 =	vadd.f32 v10, v18;
	v1 =	vadd.f32 v12, v9;
	v9 =	vsel vm0, $0x3F800000, v0  }
0x2ca: {  	v2 =	vsel vm12, $0x3F800000, v0;
	vm15 =	vlt.f32 v14, v3;
	v3 =	vsel vm14, $0x3F800000, v0  }
0x2cb: {  	v4 =	vsel vm15, $0x3F800000, v0;
	v2 =	vadd.f32 v2, v10;
	v3 =	vadd.f32 v7, v3  }
0x2cc: {  	[tilespmem:s25+$0xFFFFFF90] =	vst v8;
	v5 =	vadd.f32 v5, v9;
	v1 =	vtrunc.f32 v1;
	v4 =	vadd.f32 v4, v11  }
0x2cd: {  	[tilespmem:s24+$0xFFFFFFF0] =	vst v13;
	v1 =	vcvt.f32.s32 v1;
	v2 =	vtrunc.f32 v2;
	v3 =	vadd.f32 v15, v3  }
0x2ce: {  	[tilespmem:s24+$0xFFFFFFA0] =	vst v6;
	v5 =	vadd.f32 v19, v5;
	v2 =	vcvt.f32.s32 v2;
	v4 =	vtrunc.f32 v4  }
0x2cf: {  	[tilespmem:s24+$0xFFFFFFB0] =	vst v1;
	v1 =	vtrunc.f32 v3;
	v3 =	vcvt.f32.s32 v4  }
0x2d0: {  	[tilespmem:s24+$0xFFFFFFC0] =	vst v2;
	v2 =	vtrunc.f32 v5;
	v1 =	vcvt.f32.s32 v1  }
0x2d1: {  	[tilespmem:s24+$0xFFFFFFE0] =	vst v3;
	v2 =	vcvt.f32.s32 v2  }
0x2d2: {  	[tilespmem:s24+$0xFFFFFFD0] =	vst v1  }
0x2d3: {  	[tilespmem:s24+$0xFFFFFF90] =	vst v2  }
0x2d4: {  	_ =	strace $0x90000054  }
0x2d5: {  	_ =	strace $0x80000055  }
0x2d6: {  	_ =	swait.ge [sflag:s20], $0x2000  }
0x2d7: {  	[sflag:s20] =	ssyncset.done $0x0  }
0x2d8: {  	[sflag:s20] =	ssyncadd.s32 $0xFFFFE000  }
0x2d9: {  	_ =	strace $0x90000055  }
0x2da: {  	s28 =	simm.s32 $0x18040;
	_ =	strace $0x80000056  }
0x2db: {  	v1 =	vld [tilespmem:s28+$0x30]  }
0x2dc: {  	v2 =	vld [tilespmem:s28+$0xFFFFFFC0]  }
0x2dd: {  	v3 =	vld [tilespmem:s28+$0xFFFFFFD0]  }
0x2de: {  	s25 =	simm.s32 $0x14040;
	v4 =	vld [tilespmem:s28+$0xFFFFFFE0]  }
0x2df: {  	s26 =	simm.s32 $0x1C040;
	v5 =	vld [tilespmem:s25+$0x30]  }
0x2e0: {  	v6 =	vld [tilespmem:s26+$0x30]  }
0x2e1: {  	v7 =	vld [tilespmem:s28+$0xFFFFFFF0]  }
0x2e2: {  	v8 =	vld [tilespmem:s28+$0x0]  }
0x2e3: {  	v9 =	vld [tilespmem:s28+$0x10]  }
0x2e4: {  	s24 =	simm.s32 $0x10040;
	v10 =	vld [tilespmem:s28+$0x20]  }
0x2e5: {  	v11 =	vld [tilespmem:s24+$0x30]  }
0x2e6: {  	v12 =	vld [tilespmem:s25+$0xFFFFFFD0]  }
0x2e7: {  	v13 =	vld [tilespmem:s25+$0xFFFFFFE0];
	v1 =	vcvt.s32.f32 v1  }
0x2e8: {  	v14 =	vld [tilespmem:s25+$0xFFFFFFF0]  }
0x2e9: {  	v16 =	vld [tilespmem:s25+$0x10];
	v3 =	vcvt.s32.f32 v3;
	v1 =	vmul.f32 $9.536752260e-07, v1  }
0x2ea: {  	v17 =	vld [tilespmem:s25+$0xFFFFFFC0];
	v2 =	vcvt.s32.f32 v2  }
0x2eb: {  	v4 =	vcvt.s32.f32 v4;
	v3 =	vmul.f32 $9.536752260e-07, v3;
	v1 =	vsub.f32 v5, v1;
	v5 =	vld [tilespmem:s25+$0x0]  }
0x2ec: {  	v18 =	vld [tilespmem:s26+$0xFFFFFFD0];
	v15 =	vshll.u32 v6, $0x10;
	v7 =	vcvt.s32.f32 v7;
	v8 =	vcvt.s32.f32 v8  }
0x2ed: {  	v9 =	vcvt.s32.f32 v9;
	v3 =	vsub.f32 v12, v3;
	v12 =	vld [tilespmem:s26+$0xFFFFFFF0];
	v1 =	vmul.f32 v15, v1  }
0x2ee: {  	v6 =	vand.u32 $0xFFFF0000, v6;
	v10 =	vcvt.s32.f32 v10;
	v8 =	vmul.f32 $9.536752260e-07, v8;
	v15 =	vld [tilespmem:s25+$0x20]  }
0x2ef: {  	v2 =	vmul.f32 $9.536752260e-07, v2;
	v4 =	vmul.f32 $9.536752260e-07, v4;
	v1 =	vadd.f32 v6, v1;
	v6 =	vld [tilespmem:s26+$0xFFFFFFC0]  }
0x2f0: {  	v7 =	vmul.f32 $9.536752260e-07, v7;
	v9 =	vmul.f32 $9.536752260e-07, v9;
	v5 =	vsub.f32 v5, v8;
	v8 =	vld [tilespmem:s26+$0x0]  }
0x2f1: {  	v10 =	vmul.f32 $9.536752260e-07, v10;
	v4 =	vsub.f32 v13, v4;
	v1 =	vadd.f32 v1, v11;
	v11 =	vld [tilespmem:s26+$0xFFFFFFE0]  }
0x2f2: {  	v7 =	vsub.f32 v14, v7;
	v13 =	vsub.f32 v16, v9;
	v9 =	vld [tilespmem:s26+$0x10];
	v22 =	vand.u32 $0xFFFF0000, v12  }
0x2f3: {  	v15 =	vsub.f32 v15, v10;
	v19 =	vmul.f32 $5.000000000e-01, v1;
	v1 =	vsub.f32 v17, v2  }
0x2f4: {  	v16 =	vld [tilespmem:s26+$0x20];
	v17 =	vand.u32 $0xFFFF0000, v18;
	v2 =	vshll.u32 v6, $0x10;
	v6 =	vand.u32 $0xFFFF0000, v6  }
0x2f5: {  	v14 =	vmul.f32 v2, v1;
	v2 =	vshll.u32 v18, $0x10;
	v1 =	vld [tilespmem:s24+$0xFFFFFFC0];
	v10 =	vshll.u32 v8, $0x10  }
0x2f6: {  	v18 =	vmul.f32 v2, v3;
	v3 =	vshll.u32 v11, $0x10;
	v20 =	vand.u32 $0xFFFF0000, v11;
	v2 =	vld [tilespmem:s24+$0xFFFFFFD0]  }
0x2f7: {  	v10 =	vmul.f32 v10, v5;
	v5 =	vshll.u32 v9, $0x10;
	v21 =	vmul.f32 v3, v4;
	v3 =	vld [tilespmem:s24+$0xFFFFFFE0]  }
0x2f8: {  	v9 =	vand.u32 $0xFFFF0000, v9;
	v4 =	vshll.u32 v12, $0x10;
	v12 =	vmul.f32 v5, v13;
	v5 =	vld [tilespmem:s24+$0x0]  }
0x2f9: {  	v11 =	vand.u32 $0xFFFF0000, v16;
	v14 =	vadd.f32 v6, v14;
	v6 =	vld [tilespmem:s24+$0x10];
	v23 =	vmul.f32 v4, v7  }
0x2fa: {  	v7 =	vand.u32 $0xFFFF0000, v8;
	v4 =	vld [tilespmem:s24+$0xFFFFFFF0];
	v8 =	vshll.u32 v16, $0x10;
	v13 =	vadd.f32 v17, v18  }
0x2fb: {  	s29 =	simm.s32 $0x0;
	s30 =	simm.s32 $0x180C0;
	s28 =	simm.s32 $0x10040;
	[tilespmem:s24+$0x30] =	vst v19;
	v16 =	vmul.f32 v8, v15;
	v17 =	vadd.f32 v20, v21;
	v8 =	vld [tilespmem:s24+$0x20];
	v15 =	vadd.f32 v22, v23  }
.LBB2_14:
0x2fc: {  	v18 =	vld [tilespmem:s30+$0x30];
	s29 =	sadd.s32 $0x80, s29;
	v7 =	vadd.f32 v7, v10;
	v9 =	vadd.f32 v9, v12  }
0x2fd: {  	v1 =	vadd.f32 v14, v1;
	v11 =	vadd.f32 v11, v16;
	v10 =	vld [tilespmem:s30+$0xFFFFFFC0];
	p0 =	slt.u32 s29, $0x1F80  }
0x2fe: {  	v2 =	vadd.f32 v13, v2;
	v3 =	vadd.f32 v17, v3;
	v12 =	vld [tilespmem:s30+$0xFFFFFFD0]  }
0x2ff: {  	s25 =	sadd.s32 $0x80, s25;
	v4 =	vadd.f32 v15, v4;
	v1 =	vmul.f32 $5.000000000e-01, v1;
	v5 =	vadd.f32 v7, v5;
	v13 =	vld [tilespmem:s30+$0xFFFFFFE0]  }
0x300: {  	s26 =	sadd.s32 $0x80, s26;
	v2 =	vmul.f32 $5.000000000e-01, v2;
	v6 =	vadd.f32 v9, v6;
	v7 =	vld [tilespmem:s25+$0x30];
	v8 =	vadd.f32 v11, v8  }
0x301: {  	v9 =	vld [tilespmem:s26+$0x30];
	v11 =	vcvt.s32.f32 v18;
	[tilespmem:s24+$0xFFFFFFC0] =	vst v1;
	v1 =	vmul.f32 $5.000000000e-01, v3  }
0x302: {  	v3 =	vcvt.s32.f32 v10;
	v10 =	vld [tilespmem:s30+$0xFFFFFFF0];
	[tilespmem:s24+$0xFFFFFFD0] =	vst v2;
	v2 =	vmul.f32 $5.000000000e-01, v4  }
0x303: {  	v4 =	vcvt.s32.f32 v12;
	v12 =	vld [tilespmem:s30+$0x0];
	v11 =	vmul.f32 $9.536752260e-07, v11;
	[tilespmem:s24+$0xFFFFFFE0] =	vst v1  }
0x304: {  	v1 =	vmul.f32 $9.536752260e-07, v3;
	v3 =	vcvt.s32.f32 v13;
	v13 =	vld [tilespmem:s30+$0x10];
	[tilespmem:s24+$0xFFFFFFF0] =	vst v2  }
0x305: {  	v5 =	vmul.f32 $5.000000000e-01, v5;
	s24 =	sadd.s32 $0x80, s24;
	v2 =	vmul.f32 $9.536752260e-07, v4;
	v4 =	vld [tilespmem:s30+$0x20];
	v7 =	vsub.f32 v7, v11  }
0x306: {  	v6 =	vmul.f32 $5.000000000e-01, v6;
	v3 =	vmul.f32 $9.536752260e-07, v3;
	v11 =	vshll.u32 v9, $0x10;
	v14 =	vld [tilespmem:s24+$0x30]  }
0x307: {  	v15 =	vld [tilespmem:s25+$0xFFFFFFD0];
	v10 =	vcvt.s32.f32 v10;
	v7 =	vmul.f32 v11, v7;
	[tilespmem:s28+$0x0] =	vst v5  }
0x308: {  	v9 =	vand.u32 $0xFFFF0000, v9;
	v5 =	vld [tilespmem:s25+$0xFFFFFFE0];
	v11 =	vcvt.s32.f32 v12;
	[tilespmem:s28+$0x10] =	vst v6;
	v6 =	vmul.f32 $5.000000000e-01, v8  }
0x309: {  	v8 =	vld [tilespmem:s25+$0xFFFFFFF0];
	v10 =	vmul.f32 $9.536752260e-07, v10;
	v12 =	vcvt.s32.f32 v13;
	v7 =	vadd.f32 v9, v7  }
0x30a: {  	v9 =	vld [tilespmem:s25+$0x0];
	v11 =	vmul.f32 $9.536752260e-07, v11;
	v4 =	vcvt.s32.f32 v4;
	[tilespmem:s28+$0x20] =	vst v6;
	s28 =	smov.u32 s24  }
0x30b: {  	v6 =	vld [tilespmem:s25+$0x10];
	v12 =	vmul.f32 $9.536752260e-07, v12;
	v7 =	vadd.f32 v7, v14  }
0x30c: {  	v2 =	vsub.f32 v15, v2;
	v13 =	vld [tilespmem:s25+$0x20];
	v4 =	vmul.f32 $9.536752260e-07, v4  }
0x30d: {  	v14 =	vld [tilespmem:s25+$0xFFFFFFC0];
	v3 =	vsub.f32 v5, v3;
	v5 =	vmul.f32 $5.000000000e-01, v7  }
0x30e: {  	v7 =	vld [tilespmem:s26+$0xFFFFFFC0];
	v8 =	vsub.f32 v8, v10  }
0x30f: {  	v10 =	vld [tilespmem:s26+$0xFFFFFFD0];
	v9 =	vsub.f32 v9, v11;
	[tilespmem:s24+$0x30] =	vst v5  }
0x310: {  	v5 =	vld [tilespmem:s26+$0xFFFFFFE0];
	v6 =	vsub.f32 v6, v12  }
0x311: {  	v11 =	vld [tilespmem:s26+$0xFFFFFFF0];
	v15 =	vsub.f32 v13, v4  }
0x312: {  	v1 =	vsub.f32 v14, v1;
	v4 =	vld [tilespmem:s26+$0x0]  }
0x313: {  	v13 =	vand.u32 $0xFFFF0000, v7;
	v7 =	vshll.u32 v7, $0x10;
	v12 =	vld [tilespmem:s26+$0x10]  }
0x314: {  	v14 =	vmul.f32 v7, v1;
	v16 =	vand.u32 $0xFFFF0000, v10;
	v7 =	vshll.u32 v10, $0x10;
	v17 =	vld [tilespmem:s26+$0x20]  }
0x315: {  	v1 =	vld [tilespmem:s24+$0xFFFFFFC0];
	v18 =	vmul.f32 v7, v2;
	v19 =	vand.u32 $0xFFFF0000, v5;
	v5 =	vshll.u32 v5, $0x10  }
0x316: {  	v2 =	vld [tilespmem:s24+$0xFFFFFFD0];
	v20 =	vmul.f32 v5, v3;
	v21 =	vand.u32 $0xFFFF0000, v11;
	v5 =	vshll.u32 v11, $0x10  }
.Ltmp6:
0x317: {  	v3 =	vld [tilespmem:s24+$0xFFFFFFE0];
	v8 =	vmul.f32 v5, v8;
	v7 =	vand.u32 $0xFFFF0000, v4;
	v5 =	vshll.u32 v4, $0x10;
	(pc) =	sbr.rel @p0 .LBB2_14-.Ltmp6, $4  }
0x318: {  	v4 =	vld [tilespmem:s24+$0xFFFFFFF0];
	v10 =	vmul.f32 v5, v9;
	v9 =	vand.u32 $0xFFFF0000, v12;
	v11 =	vshll.u32 v12, $0x10  }
0x319: {  	v5 =	vld [tilespmem:s24+$0x0];
	v12 =	vmul.f32 v11, v6;
	v11 =	vand.u32 $0xFFFF0000, v17;
	v17 =	vshll.u32 v17, $0x10  }
0x31a: {  	v14 =	vadd.f32 v13, v14;
	v13 =	vadd.f32 v16, v18;
	v6 =	vld [tilespmem:s24+$0x10];
	v16 =	vmul.f32 v17, v15  }
0x31b: {  	s30 =	sadd.s32 $0x80, s30;
	v17 =	vadd.f32 v19, v20;
	v15 =	vadd.f32 v21, v8;
	v8 =	vld [tilespmem:s24+$0x20]  }
0x31c: {  	v1 =	vadd.f32 v14, v1  }
0x31d: {  	v2 =	vadd.f32 v13, v2  }
0x31e: {  	v7 =	vadd.f32 v7, v10;
	v3 =	vadd.f32 v17, v3;
	v1 =	vmul.f32 $5.000000000e-01, v1  }
0x31f: {  	v9 =	vadd.f32 v9, v12;
	v4 =	vadd.f32 v15, v4;
	v2 =	vmul.f32 $5.000000000e-01, v2  }
0x320: {  	v10 =	vadd.f32 v11, v16;
	v5 =	vadd.f32 v7, v5;
	[tilespmem:s24+$0xFFFFFFC0] =	vst v1;
	v1 =	vmul.f32 $5.000000000e-01, v3  }
0x321: {  	v3 =	vadd.f32 v9, v6;
	[tilespmem:s24+$0xFFFFFFD0] =	vst v2;
	v2 =	vmul.f32 $5.000000000e-01, v4  }
0x322: {  	v4 =	vadd.f32 v10, v8;
	[tilespmem:s24+$0xFFFFFFE0] =	vst v1;
	v1 =	vmul.f32 $5.000000000e-01, v5  }
0x323: {  	[tilespmem:s24+$0xFFFFFFF0] =	vst v2;
	v2 =	vmul.f32 $5.000000000e-01, v3  }
0x324: {  	[tilespmem:s28+$0x0] =	vst v1;
	v1 =	vmul.f32 $5.000000000e-01, v4  }
0x325: {  	[tilespmem:s28+$0x10] =	vst v2  }
0x326: {  	[tilespmem:s28+$0x20] =	vst v1  }
0x327: {  	_ =	strace $0x90000056  }
0x328: {  	[tilespmem:s18], [sflag:$0x1] =	stream.indirect.gather [spmem:s1], $0x1, s21, s16, $0xb8;
	[tilespmem:$0x1E000] =	vst v63  }
0x329: {  	_ =	strace $0x80000057  }
0x32a: {  	_ =	swait.ge [sflag:s20], $0x2000  }
0x32b: {  	[sflag:s20] =	ssyncset.done $0x0  }
0x32c: {  	[sflag:s20] =	ssyncadd.s32 $0xFFFFE000  }
0x32d: {  	_ =	strace $0x90000057  }
0x32e: {  	s28 =	simm.s32 $0x1A070;
	_ =	strace $0x80000058  }
0x32f: {  	v1 =	vld [tilespmem:s28+$0x0]  }
0x330: {  	v2 =	vld [tilespmem:s28+$0xFFFFFF90]  }
0x331: {  	v3 =	vld [tilespmem:s28+$0xFFFFFFA0]  }
0x332: {  	s25 =	simm.s32 $0x16070;
	v4 =	vld [tilespmem:s28+$0xFFFFFFB0]  }
0x333: {  	s26 =	simm.s32 $0x1C040;
	v5 =	vld [tilespmem:s25+$0x0]  }
0x334: {  	v6 =	vld [tilespmem:s26+$0x30]  }
0x335: {  	v7 =	vld [tilespmem:s28+$0xFFFFFFC0]  }
0x336: {  	v8 =	vld [tilespmem:s28+$0xFFFFFFD0]  }
0x337: {  	v9 =	vld [tilespmem:s28+$0xFFFFFFE0]  }
0x338: {  	s24 =	simm.s32 $0x12070;
	v10 =	vld [tilespmem:s28+$0xFFFFFFF0]  }
0x339: {  	v11 =	vld [tilespmem:s24+$0x0]  }
0x33a: {  	v12 =	vld [tilespmem:s25+$0xFFFFFFA0]  }
0x33b: {  	v13 =	vld [tilespmem:s25+$0xFFFFFFB0];
	v1 =	vcvt.s32.f32 v1  }
0x33c: {  	v14 =	vld [tilespmem:s25+$0xFFFFFFC0]  }
0x33d: {  	v16 =	vld [tilespmem:s25+$0xFFFFFFE0];
	v3 =	vcvt.s32.f32 v3;
	v1 =	vmul.f32 $9.536752260e-07, v1  }
0x33e: {  	v17 =	vld [tilespmem:s25+$0xFFFFFF90];
	v2 =	vcvt.s32.f32 v2  }
0x33f: {  	v4 =	vcvt.s32.f32 v4;
	v3 =	vmul.f32 $9.536752260e-07, v3;
	v1 =	vsub.f32 v5, v1;
	v5 =	vld [tilespmem:s25+$0xFFFFFFD0]  }
0x340: {  	v18 =	vld [tilespmem:s26+$0xFFFFFFD0];
	v15 =	vshll.u32 v6, $0x10;
	v7 =	vcvt.s32.f32 v7;
	v8 =	vcvt.s32.f32 v8  }
0x341: {  	v9 =	vcvt.s32.f32 v9;
	v3 =	vsub.f32 v12, v3;
	v12 =	vld [tilespmem:s26+$0xFFFFFFF0];
	v1 =	vmul.f32 v15, v1  }
0x342: {  	v6 =	vand.u32 $0xFFFF0000, v6;
	v10 =	vcvt.s32.f32 v10;
	v8 =	vmul.f32 $9.536752260e-07, v8;
	v15 =	vld [tilespmem:s25+$0xFFFFFFF0]  }
0x343: {  	v2 =	vmul.f32 $9.536752260e-07, v2;
	v4 =	vmul.f32 $9.536752260e-07, v4;
	v1 =	vadd.f32 v6, v1;
	v6 =	vld [tilespmem:s26+$0xFFFFFFC0]  }
0x344: {  	v7 =	vmul.f32 $9.536752260e-07, v7;
	v9 =	vmul.f32 $9.536752260e-07, v9;
	v5 =	vsub.f32 v5, v8;
	v8 =	vld [tilespmem:s26+$0x0]  }
0x345: {  	v10 =	vmul.f32 $9.536752260e-07, v10;
	v4 =	vsub.f32 v13, v4;
	v1 =	vadd.f32 v1, v11;
	v11 =	vld [tilespmem:s26+$0xFFFFFFE0]  }
0x346: {  	v7 =	vsub.f32 v14, v7;
	v13 =	vsub.f32 v16, v9;
	v9 =	vld [tilespmem:s26+$0x10];
	v22 =	vand.u32 $0xFFFF0000, v12  }
0x347: {  	v15 =	vsub.f32 v15, v10;
	v19 =	vmul.f32 $5.000000000e-01, v1;
	v1 =	vsub.f32 v17, v2  }
0x348: {  	v16 =	vld [tilespmem:s26+$0x20];
	v17 =	vand.u32 $0xFFFF0000, v18;
	v2 =	vshll.u32 v6, $0x10;
	v6 =	vand.u32 $0xFFFF0000, v6  }
0x349: {  	v14 =	vmul.f32 v2, v1;
	v2 =	vshll.u32 v18, $0x10;
	v1 =	vld [tilespmem:s24+$0xFFFFFF90];
	v10 =	vshll.u32 v8, $0x10  }
0x34a: {  	v18 =	vmul.f32 v2, v3;
	v3 =	vshll.u32 v11, $0x10;
	v20 =	vand.u32 $0xFFFF0000, v11;
	v2 =	vld [tilespmem:s24+$0xFFFFFFA0]  }
0x34b: {  	v10 =	vmul.f32 v10, v5;
	v5 =	vshll.u32 v9, $0x10;
	v21 =	vmul.f32 v3, v4;
	v3 =	vld [tilespmem:s24+$0xFFFFFFB0]  }
0x34c: {  	v9 =	vand.u32 $0xFFFF0000, v9;
	v4 =	vshll.u32 v12, $0x10;
	v12 =	vmul.f32 v5, v13;
	v5 =	vld [tilespmem:s24+$0xFFFFFFD0]  }
0x34d: {  	v11 =	vand.u32 $0xFFFF0000, v16;
	v14 =	vadd.f32 v6, v14;
	v6 =	vld [tilespmem:s24+$0xFFFFFFE0];
	v23 =	vmul.f32 v4, v7  }
0x34e: {  	v7 =	vand.u32 $0xFFFF0000, v8;
	v4 =	vld [tilespmem:s24+$0xFFFFFFC0];
	v8 =	vshll.u32 v16, $0x10;
	v13 =	vadd.f32 v17, v18  }
0x34f: {  	s29 =	simm.s32 $0x0;
	s30 =	simm.s32 $0x1A0F0;
	s28 =	simm.s32 $0x12070;
	[tilespmem:s24+$0x0] =	vst v19;
	v16 =	vmul.f32 v8, v15;
	v17 =	vadd.f32 v20, v21;
	v8 =	vld [tilespmem:s24+$0xFFFFFFF0];
	v15 =	vadd.f32 v22, v23  }
.LBB2_16:
0x350: {  	v18 =	vld [tilespmem:s30+$0x0];
	s29 =	sadd.s32 $0x80, s29;
	v7 =	vadd.f32 v7, v10;
	v9 =	vadd.f32 v9, v12  }
0x351: {  	v1 =	vadd.f32 v14, v1;
	v11 =	vadd.f32 v11, v16;
	v10 =	vld [tilespmem:s30+$0xFFFFFF90];
	p0 =	slt.u32 s29, $0x1F80  }
0x352: {  	v2 =	vadd.f32 v13, v2;
	v3 =	vadd.f32 v17, v3;
	v12 =	vld [tilespmem:s30+$0xFFFFFFA0]  }
0x353: {  	s25 =	sadd.s32 $0x80, s25;
	v4 =	vadd.f32 v15, v4;
	v1 =	vmul.f32 $5.000000000e-01, v1;
	v5 =	vadd.f32 v7, v5;
	v13 =	vld [tilespmem:s30+$0xFFFFFFB0]  }
0x354: {  	s26 =	sadd.s32 $0x80, s26;
	v2 =	vmul.f32 $5.000000000e-01, v2;
	v6 =	vadd.f32 v9, v6;
	v7 =	vld [tilespmem:s25+$0x0];
	v8 =	vadd.f32 v11, v8  }
0x355: {  	v9 =	vld [tilespmem:s26+$0x30];
	v11 =	vcvt.s32.f32 v18;
	[tilespmem:s24+$0xFFFFFF90] =	vst v1;
	v1 =	vmul.f32 $5.000000000e-01, v3  }
0x356: {  	v3 =	vcvt.s32.f32 v10;
	v10 =	vld [tilespmem:s30+$0xFFFFFFC0];
	[tilespmem:s24+$0xFFFFFFA0] =	vst v2;
	v2 =	vmul.f32 $5.000000000e-01, v4  }
0x357: {  	v4 =	vcvt.s32.f32 v12;
	v12 =	vld [tilespmem:s30+$0xFFFFFFD0];
	v11 =	vmul.f32 $9.536752260e-07, v11;
	[tilespmem:s24+$0xFFFFFFB0] =	vst v1  }
0x358: {  	v1 =	vmul.f32 $9.536752260e-07, v3;
	v3 =	vcvt.s32.f32 v13;
	v13 =	vld [tilespmem:s30+$0xFFFFFFE0];
	[tilespmem:s24+$0xFFFFFFC0] =	vst v2  }
0x359: {  	v5 =	vmul.f32 $5.000000000e-01, v5;
	s24 =	sadd.s32 $0x80, s24;
	v2 =	vmul.f32 $9.536752260e-07, v4;
	v4 =	vld [tilespmem:s30+$0xFFFFFFF0];
	v7 =	vsub.f32 v7, v11  }
0x35a: {  	v6 =	vmul.f32 $5.000000000e-01, v6;
	v3 =	vmul.f32 $9.536752260e-07, v3;
	v11 =	vshll.u32 v9, $0x10;
	v14 =	vld [tilespmem:s24+$0x0]  }
0x35b: {  	v15 =	vld [tilespmem:s25+$0xFFFFFFA0];
	v10 =	vcvt.s32.f32 v10;
	v7 =	vmul.f32 v11, v7;
	[tilespmem:s28+$0xFFFFFFD0] =	vst v5  }
0x35c: {  	v9 =	vand.u32 $0xFFFF0000, v9;
	v5 =	vld [tilespmem:s25+$0xFFFFFFB0];
	v11 =	vcvt.s32.f32 v12;
	[tilespmem:s28+$0xFFFFFFE0] =	vst v6;
	v6 =	vmul.f32 $5.000000000e-01, v8  }
0x35d: {  	v8 =	vld [tilespmem:s25+$0xFFFFFFC0];
	v10 =	vmul.f32 $9.536752260e-07, v10;
	v12 =	vcvt.s32.f32 v13;
	v7 =	vadd.f32 v9, v7  }
0x35e: {  	v9 =	vld [tilespmem:s25+$0xFFFFFFD0];
	v11 =	vmul.f32 $9.536752260e-07, v11;
	v4 =	vcvt.s32.f32 v4;
	[tilespmem:s28+$0xFFFFFFF0] =	vst v6;
	s28 =	smov.u32 s24  }
0x35f: {  	v6 =	vld [tilespmem:s25+$0xFFFFFFE0];
	v12 =	vmul.f32 $9.536752260e-07, v12;
	v7 =	vadd.f32 v7, v14  }
0x360: {  	v2 =	vsub.f32 v15, v2;
	v13 =	vld [tilespmem:s25+$0xFFFFFFF0];
	v4 =	vmul.f32 $9.536752260e-07, v4  }
0x361: {  	v14 =	vld [tilespmem:s25+$0xFFFFFF90];
	v3 =	vsub.f32 v5, v3;
	v5 =	vmul.f32 $5.000000000e-01, v7  }
0x362: {  	v7 =	vld [tilespmem:s26+$0xFFFFFFC0];
	v8 =	vsub.f32 v8, v10  }
0x363: {  	v10 =	vld [tilespmem:s26+$0xFFFFFFD0];
	v9 =	vsub.f32 v9, v11;
	[tilespmem:s24+$0x0] =	vst v5  }
0x364: {  	v5 =	vld [tilespmem:s26+$0xFFFFFFE0];
	v6 =	vsub.f32 v6, v12  }
0x365: {  	v11 =	vld [tilespmem:s26+$0xFFFFFFF0];
	v15 =	vsub.f32 v13, v4  }
0x366: {  	v1 =	vsub.f32 v14, v1;
	v4 =	vld [tilespmem:s26+$0x0]  }
0x367: {  	v13 =	vand.u32 $0xFFFF0000, v7;
	v7 =	vshll.u32 v7, $0x10;
	v12 =	vld [tilespmem:s26+$0x10]  }
0x368: {  	v14 =	vmul.f32 v7, v1;
	v16 =	vand.u32 $0xFFFF0000, v10;
	v7 =	vshll.u32 v10, $0x10;
	v17 =	vld [tilespmem:s26+$0x20]  }
0x369: {  	v1 =	vld [tilespmem:s24+$0xFFFFFF90];
	v18 =	vmul.f32 v7, v2;
	v19 =	vand.u32 $0xFFFF0000, v5;
	v5 =	vshll.u32 v5, $0x10  }
0x36a: {  	v2 =	vld [tilespmem:s24+$0xFFFFFFA0];
	v20 =	vmul.f32 v5, v3;
	v21 =	vand.u32 $0xFFFF0000, v11;
	v5 =	vshll.u32 v11, $0x10  }
.Ltmp7:
0x36b: {  	v3 =	vld [tilespmem:s24+$0xFFFFFFB0];
	v8 =	vmul.f32 v5, v8;
	v7 =	vand.u32 $0xFFFF0000, v4;
	v5 =	vshll.u32 v4, $0x10;
	(pc) =	sbr.rel @p0 .LBB2_16-.Ltmp7, $4  }
0x36c: {  	v4 =	vld [tilespmem:s24+$0xFFFFFFC0];
	v10 =	vmul.f32 v5, v9;
	v9 =	vand.u32 $0xFFFF0000, v12;
	v11 =	vshll.u32 v12, $0x10  }
0x36d: {  	v5 =	vld [tilespmem:s24+$0xFFFFFFD0];
	v12 =	vmul.f32 v11, v6;
	v11 =	vand.u32 $0xFFFF0000, v17;
	v17 =	vshll.u32 v17, $0x10  }
0x36e: {  	v14 =	vadd.f32 v13, v14;
	v13 =	vadd.f32 v16, v18;
	v6 =	vld [tilespmem:s24+$0xFFFFFFE0];
	v16 =	vmul.f32 v17, v15  }
0x36f: {  	s30 =	sadd.s32 $0x80, s30;
	v17 =	vadd.f32 v19, v20;
	v15 =	vadd.f32 v21, v8;
	v8 =	vld [tilespmem:s24+$0xFFFFFFF0]  }
0x370: {  	v1 =	vadd.f32 v14, v1  }
0x371: {  	v2 =	vadd.f32 v13, v2  }
0x372: {  	v7 =	vadd.f32 v7, v10;
	v3 =	vadd.f32 v17, v3;
	v1 =	vmul.f32 $5.000000000e-01, v1  }
0x373: {  	v9 =	vadd.f32 v9, v12;
	v4 =	vadd.f32 v15, v4;
	v2 =	vmul.f32 $5.000000000e-01, v2  }
0x374: {  	v62 =	vadd.f32 v11, v16;
	v5 =	vadd.f32 v7, v5;
	[tilespmem:s24+$0xFFFFFF90] =	vst v1;
	v1 =	vmul.f32 $5.000000000e-01, v3  }
0x375: {  	v3 =	vadd.f32 v9, v6;
	[tilespmem:s24+$0xFFFFFFA0] =	vst v2;
	v2 =	vmul.f32 $5.000000000e-01, v4  }
0x376: {  	v63 =	vadd.f32 v62, v8;
	[tilespmem:s24+$0xFFFFFFB0] =	vst v1;
	v1 =	vmul.f32 $5.000000000e-01, v5  }
0x377: {  	[tilespmem:s24+$0xFFFFFFC0] =	vst v2;
	v2 =	vmul.f32 $5.000000000e-01, v3  }
0x378: {  	[tilespmem:s28+$0xFFFFFFD0] =	vst v1;
	v1 =	vmul.f32 $5.000000000e-01, v63  }
0x379: {  	[tilespmem:s28+$0xFFFFFFE0] =	vst v2  }
0x37a: {  	[tilespmem:s28+$0xFFFFFFF0] =	vst v1  }
0x37b: {  	s23 =	sadd.s32 $0x1, s23;
	_ =	strace $0x90000058  }
0x37c: {  	p0 =	sne.s32 s23, s11;
	_ =	strace $0x80000059  }
0x37d: {  	[hbm4b:s10+s2] =	stream.linear.scatter [tilespmem:s22], [sflag:$0x3], $0x4000, $0x200038;
	[tilespmem:$0x1E000] =	vst v63  }
.Ltmp8:
0x37e: {  	_ = 	snop;
	(pc) =	sbr.rel @p0 .LBB2_1-.Ltmp8, $4  }
0x37f: {  	_ =	swait.ge [sflag:s14], $0x4000  }
0x380: {  	[sflag:s14] =	ssyncset.done $0x0  }
0x381: {  	[sflag:s14] =	ssyncadd.s32 $0xFFFFC000  }
0x382: {  	_ =	strace $0x90000059  }
0x383: {  	_ =	sfence.sel $0x180000  }
0x384: {  	[bflag:$0x0] =	sbarrier.arrive $0xFFFF  }
0x385: {  	p0 =	sne.s32 s3, $0x0;
	_ =	strace $0x90000047  }
0x386: {  	s0 =	sadd.s32 @!p0 $0x100000, s0;
	[bflag:$0x2] =	sbarrier.arrive $0xFFFF  }
0x387: {  	[sflag:s0] =	ssyncadd.tile.s32 @!p0 $0x1;
	_ =	shalt  }
.Lfunc_end2:
_tile_overlayer_lowered:
.L_overlay_start_2:
0x388: {  	(tag) =	ssettag $0x2  }
0x389: {  	s0 =	rddreg [dreg:$0x0];
	s2 =	stileid.u32  }
0x38a: {  	s1 =	rddreg [dreg:$0x1];
	p0 =	sne.s32 s2, $0x0  }
0x38b: {  	s3 =	rddreg [dreg:$0x2];
	[bflag:$0x3] =	sbarrier.arrive $0xFFFF;
	s2 =	simm.s32 @!p0 $0x1C03  }
0x38c: {  	[timem:s3], [sflag:s2] =	dma.local @!p0 [hbm:s0], s1  }
0x38d: {  	s0 =	simm.s32 @!p0 $0x3  }
0x38e: {  	_ =	swait.ge @!p0 [sflag:s0], s1  }
0x38f: {  	s1 =	ssub.s32 @!p0 $0x0, s1;
	[sflag:s0] =	ssyncset.done @!p0 $0x0  }
0x390: {  	[sflag:s0] =	ssyncadd.s32 @!p0 s1  }
0x391: {  	[bflag:$0x3] =	sbarrier.arrive $0xFFFF  }
0x392: {  	_ =	shalt  }

</sc_bundles>
